<compile_context>
chip_gen: v7x
topology: tpu7x:2x2x1
jax: 0.10.2.dev20260603
libtpu: 0.0.44.dev20260713+nightly
codegen_flags: <defaults>
</compile_context>

<pallas_src>
import jax
import jax.numpy as jnp
from jax import lax
from jax.experimental import pallas as pl
from jax.experimental.pallas import tpu as pltpu
from jax.experimental.pallas import tpu_sc as plsc

N = 10000
F = 128
E = 320000
ALPHA = 0.3

NSUB = 16
ROWS_MAIN = 632
ROWS_LAST = N - 15 * ROWS_MAIN
CHUNK = 128
NCHUNK = E // CHUNK
NCH_BASE = NCHUNK // NSUB



def _spmm_one(src_hbm, dst_hbm, x_hbm, zeros_hbm, y_hbm,
              ysh, srci, dsti, dum2, rows_v, semg, sems, semi):
    sid = lax.axis_index("s")
    r0 = pl.multiple_of(sid * ROWS_MAIN, 8)

    @pl.when(sid < 15)
    def _():
        pltpu.sync_copy(zeros_hbm.at[pl.ds(r0, ROWS_MAIN)],
                        ysh.at[pl.ds(r0, ROWS_MAIN)])

    @pl.when(sid == 15)
    def _():
        pltpu.sync_copy(zeros_hbm.at[pl.ds(15 * ROWS_MAIN, ROWS_LAST)],
                        ysh.at[pl.ds(15 * ROWS_MAIN, ROWS_LAST)])

    plsc.subcore_barrier()

    c0 = sid * NCH_BASE + lax.min(sid, 4)
    nch = NCH_BASE + lax.select(sid < 4, 1, 0)
    e0 = c0 * CHUNK

    pltpu.sync_copy(src_hbm.at[pl.ds(pl.multiple_of(e0, CHUNK), CHUNK)],
                    srci.at[0])
    pltpu.sync_copy(dst_hbm.at[pl.ds(pl.multiple_of(e0, CHUNK), CHUNK)],
                    dsti.at[0])
    pltpu.async_copy(x_hbm.at[pl.ds(0, CHUNK)], rows_v.at[1], sems)
    pltpu.async_copy(x_hbm.at[pl.ds(0, CHUNK)], rows_v.at[1], sems)

    def body(g, carry):
        pb = lax.bitwise_and(g, 1)
        ib = lax.bitwise_and(g, 3)
        ib1 = lax.bitwise_and(g + 1, 3)
        gn = lax.min(g + 1, nch - 1)
        base = pl.multiple_of(e0 + gn * CHUNK, CHUNK)
        pltpu.make_async_copy(x_hbm.at[pl.ds(0, CHUNK)],
                              rows_v.at[pb], sems).wait()
        pltpu.async_copy(src_hbm.at[pl.ds(base, CHUNK)], srci.at[ib1], semi)
        pltpu.async_copy(dst_hbm.at[pl.ds(base, CHUNK)], dsti.at[ib1], semi)
        pltpu.async_copy(x_hbm.at[srci.at[ib]], rows_v.at[pb], semg)
        pltpu.make_async_copy(x_hbm.at[pl.ds(0, CHUNK)],
                              rows_v.at[pb], semg).wait()
        pltpu.async_copy(rows_v.at[pb], ysh.at[dsti.at[ib]], sems, add=True)
        pltpu.make_async_copy(src_hbm.at[pl.ds(0, 2 * CHUNK)],
                              dum2, semi).wait()
        return carry

    lax.fori_loop(0, nch, body, 0)

    for _ in range(2):
        pltpu.make_async_copy(x_hbm.at[pl.ds(0, CHUNK)],
                              rows_v.at[0], sems).wait()

    plsc.subcore_barrier()

    @pl.when(sid < 15)
    def _():
        pltpu.sync_copy(ysh.at[pl.ds(r0, ROWS_MAIN)],
                        y_hbm.at[pl.ds(r0, ROWS_MAIN)])

    @pl.when(sid == 15)
    def _():
        pltpu.sync_copy(ysh.at[pl.ds(15 * ROWS_MAIN, ROWS_LAST)],
                        y_hbm.at[pl.ds(15 * ROWS_MAIN, ROWS_LAST)])


def _spmm_pair_body(src_a, dst_a, x_a, src_b, dst_b, x_b, zeros_hbm,
                    y_a, y_b,
                    ysh, srci, dsti, dum2, rows_v, semg, sems, semi):
    cid = lax.axis_index("c")

    @pl.when(cid == 0)
    def _():
        _spmm_one(src_a, dst_a, x_a, zeros_hbm, y_a,
                  ysh, srci, dsti, dum2, rows_v, semg, sems, semi)

    @pl.when(cid == 1)
    def _():
        _spmm_one(src_b, dst_b, x_b, zeros_hbm, y_b,
                  ysh, srci, dsti, dum2, rows_v, semg, sems, semi)


@jax.jit
def _spmm_pair(src_a, dst_a, x_a, src_b, dst_b, x_b, zeros):
    mesh = plsc.VectorSubcoreMesh(core_axis_name="c", subcore_axis_name="s")
    f = pl.kernel(
        _spmm_pair_body,
        out_type=[jax.ShapeDtypeStruct((N, F), jnp.float32),
                  jax.ShapeDtypeStruct((N, F), jnp.float32)],
        mesh=mesh,
        scratch_types=[
            pltpu.VMEM_SHARED((N, F), jnp.float32),
            pltpu.VMEM((4, CHUNK), jnp.int32),
            pltpu.VMEM((4, CHUNK), jnp.int32),
            pltpu.VMEM((2 * CHUNK,), jnp.int32),
            pltpu.VMEM((2, CHUNK, F), jnp.float32),
            pltpu.SemaphoreType.DMA,
            pltpu.SemaphoreType.DMA,
            pltpu.SemaphoreType.DMA,
        ],
    )
    return f(src_a, dst_a, x_a, src_b, dst_b, x_b, zeros)



_RB = 2000
_NB = N // _RB


def _leaky(x):
    return jnp.where(x >= 0, x, ALPHA * x)


def _mm(x, w):
    return jnp.dot(x, w, preferred_element_type=jnp.float32)


def _stage2_kernel(a1, a2, w1, b1, w2, b2, o1, o2):
    o1[...] = _leaky(_mm(a1[...], w1[...]) + b1[...])
    o2[...] = _leaky(_mm(a2[...], w2[...]) + b2[...])


@jax.jit
def _stage2(agg1, agg2, W1, b1, W2, b2):
    row = pl.BlockSpec((_RB, F), lambda i: (i, 0))
    wsp = pl.BlockSpec((F, F), lambda i: (0, 0))
    bsp = pl.BlockSpec((1, F), lambda i: (0, 0))
    return pl.pallas_call(
        _stage2_kernel,
        grid=(_NB,),
        in_specs=[row, row, wsp, bsp, wsp, bsp],
        out_specs=[row, row],
        out_shape=[jax.ShapeDtypeStruct((N, F), jnp.float32)] * 2,
    )(agg1, agg2, W1, b1.reshape(1, F), W2, b2.reshape(1, F))


def _stage4_kernel(a3, a4, uf, vf,
                   w3m, b3m, w3s, b3s, w4m, b4m, w4s, b4s,
                   wuma, wumb, bum, wusa, wusb, bus,
                   wima, wimb, bim, wisa, wisb, bis,
                   mu, lu, mi, li):
    x3, x4 = a3[...], a4[...]
    u, v = uf[...], vf[...]
    g3m = _leaky(_mm(x3, w3m[...]) + b3m[...])
    mu[...] = _mm(g3m, wuma[...]) + _mm(u, wumb[...]) + bum[...]
    g3s = _leaky(_mm(x3, w3s[...]) + b3s[...])
    lu[...] = _mm(g3s, wusa[...]) + _mm(u, wusb[...]) + bus[...]
    g4m = _leaky(_mm(x4, w4m[...]) + b4m[...])
    mi[...] = _mm(g4m, wima[...]) + _mm(v, wimb[...]) + bim[...]
    g4s = _leaky(_mm(x4, w4s[...]) + b4s[...])
    li[...] = _mm(g4s, wisa[...]) + _mm(v, wisb[...]) + bis[...]


@jax.jit
def _stage4(agg3, agg4, ufea, vfea,
            W3m, b3m, W3s, b3s, W4m, b4m, W4s, b4s,
            Wum, bum, Wus, bus, Wim, bim, Wis, bis):
    row = pl.BlockSpec((_RB, F), lambda i: (i, 0))
    wsp = pl.BlockSpec((F, F), lambda i: (0, 0))
    bsp = pl.BlockSpec((1, F), lambda i: (0, 0))
    args = [
        agg3, agg4, ufea, vfea,
        W3m, b3m.reshape(1, F), W3s, b3s.reshape(1, F),
        W4m, b4m.reshape(1, F), W4s, b4s.reshape(1, F),
        Wum[:F], Wum[F:], bum.reshape(1, F),
        Wus[:F], Wus[F:], bus.reshape(1, F),
        Wim[:F], Wim[F:], bim.reshape(1, F),
        Wis[:F], Wis[F:], bis.reshape(1, F),
    ]
    specs = [row, row, row, row] + [wsp, bsp] * 4 + [wsp, wsp, bsp] * 4
    return pl.pallas_call(
        _stage4_kernel,
        grid=(_NB,),
        in_specs=specs,
        out_specs=[row] * 4,
        out_shape=[jax.ShapeDtypeStruct((N, F), jnp.float32)] * 4,
    )(*args)



def kernel(ufea, vfea, UV_adj, VU_adj, W_gc1, b_gc1, W_gc2, b_gc2,
           W_gc3m, b_gc3m, W_gc3s, b_gc3s, W_gc4m, b_gc4m, W_gc4s, b_gc4s,
           W_uum, b_uum, W_uus, b_uus, W_ium, b_ium, W_ius, b_ius):
    zeros = jnp.zeros((N, F), jnp.float32)

    uv_s, uv_d = UV_adj[1], UV_adj[0]
    vu_s, vu_d = VU_adj[1], VU_adj[0]
    agg1, agg2 = _spmm_pair(vu_s, vu_d, ufea, uv_s, uv_d, vfea, zeros)
    ho1, ho2 = _stage2(agg1, agg2, W_gc1, b_gc1, W_gc2, b_gc2)
    agg3, agg4 = _spmm_pair(uv_s, uv_d, ho1, vu_s, vu_d, ho2, zeros)
    mean_u, logstd_u, mean_i, logstd_i = _stage4(
        agg3, agg4, ufea, vfea,
        W_gc3m, b_gc3m, W_gc3s, b_gc3s, W_gc4m, b_gc4m, W_gc4s, b_gc4s,
        W_uum, b_uum, W_uus, b_uus, W_ium, b_ium, W_ius, b_ius)
    return (mean_u, mean_i, mean_u, mean_i, logstd_u, logstd_i)

# --- scband reference (transcript-rebuilt; emitter-appended) ---
"""Pipeline reference for scband-last-layer-82042465288963 (READ-ONLY COPY).

The authoritative reference and input builder live on the scoring server;
editing this copy changes nothing except your own understanding.
"""

import jax, jax.numpy as jnp
import numpy as np

N_USER = 10000
N_ITEM = 10000
E = 320000
FDIM = 128
ALPHA = 0.3


def _gcn(x, edges, W, b, n_out):
    # GraphConvolution: support = x @ W ; out = spmm(adj, support) + b ; leaky_relu
    # adj given as COO edge list: edges[0] = row (output node), edges[1] = col (input node)
    support = x @ W
    agg = jax.ops.segment_sum(support[edges[1]], edges[0], num_segments=n_out)
    return jax.nn.leaky_relu(agg + b, negative_slope=ALPHA)


def setup_inputs(seed: int = 0):
    key = jax.random.key(seed)
    ks = jax.random.split(key, 32)
    sc = 1.0 / np.sqrt(FDIM)
    sc2 = 1.0 / np.sqrt(2 * FDIM)
    inp = {}
    inp["ufea"] = jax.random.normal(ks[0], (N_USER, FDIM), jnp.float32)
    inp["vfea"] = jax.random.normal(ks[1], (N_ITEM, FDIM), jnp.float32)
    # UV_adj: [n_user, n_item] sparse -> rows are users, cols are items
    inp["UV_adj"] = jnp.stack([
        jax.random.randint(ks[2], (E,), 0, N_USER),
        jax.random.randint(ks[3], (E,), 0, N_ITEM)])
    # VU_adj: [n_item, n_user] sparse -> rows are items, cols are users
    inp["VU_adj"] = jnp.stack([
        jax.random.randint(ks[4], (E,), 0, N_ITEM),
        jax.random.randint(ks[5], (E,), 0, N_USER)])
    # GCN weights (feature_dim == hidden_dim == 128)
    inp["W_gc1"] = jax.random.normal(ks[6], (FDIM, FDIM), jnp.float32) * sc
    inp["b_gc1"] = jnp.zeros((FDIM,), jnp.float32)
    inp["W_gc2"] = jax.random.normal(ks[7], (FDIM, FDIM), jnp.float32) * sc
    inp["b_gc2"] = jnp.zeros((FDIM,), jnp.float32)
    inp["W_gc3m"] = jax.random.normal(ks[8], (FDIM, FDIM), jnp.float32) * sc
    inp["b_gc3m"] = jnp.zeros((FDIM,), jnp.float32)
    inp["W_gc3s"] = jax.random.normal(ks[9], (FDIM, FDIM), jnp.float32) * sc
    inp["b_gc3s"] = jnp.zeros((FDIM,), jnp.float32)
    inp["W_gc4m"] = jax.random.normal(ks[10], (FDIM, FDIM), jnp.float32) * sc
    inp["b_gc4m"] = jnp.zeros((FDIM,), jnp.float32)
    inp["W_gc4s"] = jax.random.normal(ks[11], (FDIM, FDIM), jnp.float32) * sc
    inp["b_gc4s"] = jnp.zeros((FDIM,), jnp.float32)
    # union linear layers: in = 2*FDIM, out = FDIM (stored as [2F, F], applied as x @ W + b)
    inp["W_uum"] = jax.random.normal(ks[12], (2 * FDIM, FDIM), jnp.float32) * sc2
    inp["b_uum"] = jnp.zeros((FDIM,), jnp.float32)
    inp["W_uus"] = jax.random.normal(ks[13], (2 * FDIM, FDIM), jnp.float32) * sc2
    inp["b_uus"] = jnp.zeros((FDIM,), jnp.float32)
    inp["W_ium"] = jax.random.normal(ks[14], (2 * FDIM, FDIM), jnp.float32) * sc2
    inp["b_ium"] = jnp.zeros((FDIM,), jnp.float32)
    inp["W_ius"] = jax.random.normal(ks[15], (2 * FDIM, FDIM), jnp.float32) * sc2
    inp["b_ius"] = jnp.zeros((FDIM,), jnp.float32)
    return inp


def reference(ufea, vfea, UV_adj, VU_adj,
              W_gc1, b_gc1, W_gc2, b_gc2,
              W_gc3m, b_gc3m, W_gc3s, b_gc3s,
              W_gc4m, b_gc4m, W_gc4s, b_gc4s,
              W_uum, b_uum, W_uus, b_uus,
              W_ium, b_ium, W_ius, b_ius):
    # eval mode: dropout off, reparameters returns mean
    # user branch
    User_ho = _gcn(ufea, VU_adj, W_gc1, b_gc1, N_ITEM)
    mean_u = _gcn(User_ho, UV_adj, W_gc3m, b_gc3m, N_USER)
    logstd_u = _gcn(User_ho, UV_adj, W_gc3s, b_gc3s, N_USER)
    mean_u = jnp.concatenate([mean_u, ufea], axis=1) @ W_uum + b_uum
    logstd_u = jnp.concatenate([logstd_u, ufea], axis=1) @ W_uus + b_uus
    user = mean_u
    # item branch
    Item_ho = _gcn(vfea, UV_adj, W_gc2, b_gc2, N_USER)
    mean_i = _gcn(Item_ho, VU_adj, W_gc4m, b_gc4m, N_ITEM)
    logstd_i = _gcn(Item_ho, VU_adj, W_gc4s, b_gc4s, N_ITEM)
    mean_i = jnp.concatenate([mean_i, vfea], axis=1) @ W_ium + b_ium
    logstd_i = jnp.concatenate([logstd_i, vfea], axis=1) @ W_ius + b_ius
    item = mean_i
    return (user, item, mean_u, mean_i, logstd_u, logstd_i)

if __name__ == "__main__":
    import jax
    _d = setup_inputs()
    print(jax.jit(kernel)(*tuple(_d.values())))

</pallas_src>

<mosaic_0001>
#map = affine_map<(d0, d1) -> (0)>
#map1 = affine_map<(d0, d1) -> (0, 0)>
module attributes {stable_mosaic.version = 14 : i64} {
  func.func @_spmm_pair_body(%arg0: i32, %arg1: i32, %arg2: memref<320000xi32, #tpu.memory_space<hbm>>, %arg3: memref<320000xi32, #tpu.memory_space<hbm>>, %arg4: memref<10000x128xf32, #tpu.memory_space<hbm>>, %arg5: memref<320000xi32, #tpu.memory_space<hbm>>, %arg6: memref<320000xi32, #tpu.memory_space<hbm>>, %arg7: memref<10000x128xf32, #tpu.memory_space<hbm>>, %arg8: memref<10000x128xf32, #tpu.memory_space<hbm>>, %arg9: memref<10000x128xf32, #tpu.memory_space<hbm>>, %arg10: memref<10000x128xf32, #tpu.memory_space<hbm>>, %arg11: memref<10000x128xf32, #tpu.memory_space<vmem_shared>>, %arg12: memref<4x128xi32, #tpu.memory_space<vmem>>, %arg13: memref<4x128xi32, #tpu.memory_space<vmem>>, %arg14: memref<256xi32, #tpu.memory_space<vmem>>, %arg15: memref<2x128x128xf32, #tpu.memory_space<vmem>>, %arg16: memref<!tpu.dma_semaphore, #tpu.memory_space<semaphore_mem>>, %arg17: memref<!tpu.dma_semaphore, #tpu.memory_space<semaphore_mem>>, %arg18: memref<!tpu.dma_semaphore, #tpu.memory_space<semaphore_mem>>) attributes {dimension_semantics = [#tpu.dimension_semantics<core_parallel>, #tpu.dimension_semantics<subcore_parallel>], iteration_bounds = array<i64: 2, 16>, scalar_prefetch = 0 : i64, scratch_operands = 8 : i64, tpu.core_type = #tpu.core_type<sc_vector_subcore>, window_params = [{transform_indices = #map}, {transform_indices = #map}, {transform_indices = #map1}, {transform_indices = #map}, {transform_indices = #map}, {transform_indices = #map1}, {transform_indices = #map1}, {transform_indices = #map1}, {transform_indices = #map1}]} {
    %eq3A = arith.constant 0 : i32
    %eq3A_0 = arith.cmpi eq, %arg0, %eq3A : i32
    %convert_element_type3A = arith.extui %eq3A_0 : i1 to i32
    %cond3A = arith.constant 0 : i32
    %cond3A_1 = arith.cmpi ne, %convert_element_type3A, %cond3A : i32
    scf.if %cond3A_1 {
      %mul3A = arith.constant 632 : i32
      %mul3A_7 = arith.muli %arg1, %mul3A : i32
      %multiple_of3A = tpu.assume_multiple %mul3A_7, 8 : i32
      %lt3A = arith.constant 15 : i32
      %lt3A_8 = arith.cmpi slt, %arg1, %lt3A : i32
      %convert_element_type3A_9 = arith.extui %lt3A_8 : i1 to i32
      %cond3A_10 = arith.constant 0 : i32
      %cond3A_11 = arith.cmpi ne, %convert_element_type3A_9, %cond3A_10 : i32
      scf.if %cond3A_11 {
        "tpu.region"() ({
          %run_scoped3A_109 = tpu.sem_alloc : memref<!tpu.dma_semaphore, #tpu.memory_space<semaphore_mem>>
          %dma_start3A_110 = arith.constant 0 : i32
          %dma_start3A_111 = tpu.memref_slice %arg11[%multiple_of3A, %dma_start3A_110] : memref<10000x128xf32, #tpu.memory_space<vmem_shared>> -> memref<632x128xf32, #tpu.memory_space<vmem_shared>>
          %dma_start3A_112 = arith.constant 0 : i32
          %dma_start3A_113 = tpu.memref_slice %arg8[%multiple_of3A, %dma_start3A_112] : memref<10000x128xf32, #tpu.memory_space<hbm>> -> memref<632x128xf32, #tpu.memory_space<hbm>>
          tpu.enqueue_dma source(%dma_start3A_113 : memref<632x128xf32, #tpu.memory_space<hbm>>) target(%dma_start3A_111 : memref<632x128xf32, #tpu.memory_space<vmem_shared>>) target_semaphore(%run_scoped3A_109 : memref<!tpu.dma_semaphore, #tpu.memory_space<semaphore_mem>>)
          %dma_wait3A_114 = arith.constant 0 : i32
          %dma_wait3A_115 = tpu.memref_slice %arg11[%multiple_of3A, %dma_wait3A_114] : memref<10000x128xf32, #tpu.memory_space<vmem_shared>> -> memref<632x128xf32, #tpu.memory_space<vmem_shared>>
          %dma_wait3A_116 = arith.constant 0 : i32
          %dma_wait3A_117 = tpu.memref_slice %arg8[%multiple_of3A, %dma_wait3A_116] : memref<10000x128xf32, #tpu.memory_space<hbm>> -> memref<632x128xf32, #tpu.memory_space<hbm>>
          tpu.wait_dma2 semaphore(%run_scoped3A_109 : memref<!tpu.dma_semaphore, #tpu.memory_space<semaphore_mem>>) src(%dma_wait3A_117 : memref<632x128xf32, #tpu.memory_space<hbm>>) dst(%dma_wait3A_115 : memref<632x128xf32, #tpu.memory_space<vmem_shared>>)
          tpu.yield
        }) : () -> ()
      } else {
      }
      %eq3A_12 = arith.constant 15 : i32
      %eq3A_13 = arith.cmpi eq, %arg1, %eq3A_12 : i32
      %convert_element_type3A_14 = arith.extui %eq3A_13 : i1 to i32
      %cond3A_15 = arith.constant 0 : i32
      %cond3A_16 = arith.cmpi ne, %convert_element_type3A_14, %cond3A_15 : i32
      scf.if %cond3A_16 {
        "tpu.region"() ({
          %run_scoped3A_109 = tpu.sem_alloc : memref<!tpu.dma_semaphore, #tpu.memory_space<semaphore_mem>>
          %dma_start3A_110 = arith.constant 9480 : i32
          %dma_start3A_111 = arith.constant 0 : i32
          %dma_start3A_112 = tpu.memref_slice %arg11[%dma_start3A_110, %dma_start3A_111] : memref<10000x128xf32, #tpu.memory_space<vmem_shared>> -> memref<520x128xf32, #tpu.memory_space<vmem_shared>>
          %dma_start3A_113 = arith.constant 9480 : i32
          %dma_start3A_114 = arith.constant 0 : i32
          %dma_start3A_115 = tpu.memref_slice %arg8[%dma_start3A_113, %dma_start3A_114] : memref<10000x128xf32, #tpu.memory_space<hbm>> -> memref<520x128xf32, #tpu.memory_space<hbm>>
          tpu.enqueue_dma source(%dma_start3A_115 : memref<520x128xf32, #tpu.memory_space<hbm>>) target(%dma_start3A_112 : memref<520x128xf32, #tpu.memory_space<vmem_shared>>) target_semaphore(%run_scoped3A_109 : memref<!tpu.dma_semaphore, #tpu.memory_space<semaphore_mem>>)
          %dma_wait3A_116 = arith.constant 9480 : i32
          %dma_wait3A_117 = arith.constant 0 : i32
          %dma_wait3A_118 = tpu.memref_slice %arg11[%dma_wait3A_116, %dma_wait3A_117] : memref<10000x128xf32, #tpu.memory_space<vmem_shared>> -> memref<520x128xf32, #tpu.memory_space<vmem_shared>>
          %dma_wait3A_119 = arith.constant 9480 : i32
          %dma_wait3A_120 = arith.constant 0 : i32
          %dma_wait3A_121 = tpu.memref_slice %arg8[%dma_wait3A_119, %dma_wait3A_120] : memref<10000x128xf32, #tpu.memory_space<hbm>> -> memref<520x128xf32, #tpu.memory_space<hbm>>
          tpu.wait_dma2 semaphore(%run_scoped3A_109 : memref<!tpu.dma_semaphore, #tpu.memory_space<semaphore_mem>>) src(%dma_wait3A_121 : memref<520x128xf32, #tpu.memory_space<hbm>>) dst(%dma_wait3A_118 : memref<520x128xf32, #tpu.memory_space<vmem_shared>>)
          tpu.yield
        }) : () -> ()
      } else {
      }
      %barrier3A = arith.constant 0 : index
      tpu.barrier barrier_id(%barrier3A)
      %mul3A_17 = arith.constant 156 : i32
      %mul3A_18 = arith.muli %arg1, %mul3A_17 : i32
      %min3A = arith.constant 4 : i32
      %min3A_19 = arith.minsi %arg1, %min3A : i32
      %add3A = arith.addi %mul3A_18, %min3A_19 : i32
      %lt3A_20 = arith.constant 4 : i32
      %lt3A_21 = arith.cmpi slt, %arg1, %lt3A_20 : i32
      %select_n3A = arith.constant 0 : i32
      %select_n3A_22 = arith.constant 1 : i32
      %select_n3A_23 = arith.select %lt3A_21, %select_n3A_22, %select_n3A : i32
      %add3A_24 = arith.constant 156 : i32
      %add3A_25 = arith.addi %add3A_24, %select_n3A_23 : i32
      %mul3A_26 = arith.constant 128 : i32
      %mul3A_27 = arith.muli %add3A, %mul3A_26 : i32
      %multiple_of3A_28 = tpu.assume_multiple %mul3A_27, 128 : i32
      %run_scoped3A = arith.constant 0 : i32
      "tpu.region"() ({
        %run_scoped3A_109 = tpu.sem_alloc : memref<!tpu.dma_semaphore, #tpu.memory_space<semaphore_mem>>
        %dma_start3A_110 = arith.constant 0 : i32
        %dma_start3A_111 = tpu.memref_slice %arg12[%run_scoped3A, %dma_start3A_110] : memref<4x128xi32, #tpu.memory_space<vmem>> -> memref<1x128xi32, #tpu.memory_space<vmem>>
        %dma_start3A_112 = tpu.memref_squeeze %dma_start3A_111 : memref<1x128xi32, #tpu.memory_space<vmem>> -> memref<128xi32, #tpu.memory_space<vmem>>
        %dma_start3A_113 = tpu.memref_slice %arg2[%multiple_of3A_28] : memref<320000xi32, #tpu.memory_space<hbm>> -> memref<128xi32, #tpu.memory_space<hbm>>
        %dma_start3A_114 = arith.constant 0 : i32
        %dma_start3A_115 = tpu.memref_slice %arg12[%run_scoped3A, %dma_start3A_114] : memref<4x128xi32, #tpu.memory_space<vmem>> -> memref<1x128xi32, #tpu.memory_space<vmem>>
        %dma_start3A_116 = tpu.memref_squeeze %dma_start3A_115 : memref<1x128xi32, #tpu.memory_space<vmem>> -> memref<128xi32, #tpu.memory_space<vmem>>
        %dma_start3A_117 = tpu.memref_slice %arg2[%multiple_of3A_28] : memref<320000xi32, #tpu.memory_space<hbm>> -> memref<128xi32, #tpu.memory_space<hbm>>
        tpu.enqueue_dma source(%dma_start3A_117 : memref<128xi32, #tpu.memory_space<hbm>>) target(%dma_start3A_116 : memref<128xi32, #tpu.memory_space<vmem>>) target_semaphore(%run_scoped3A_109 : memref<!tpu.dma_semaphore, #tpu.memory_space<semaphore_mem>>)
        %dma_wait3A_118 = arith.constant 0 : i32
        %dma_wait3A_119 = tpu.memref_slice %arg12[%run_scoped3A, %dma_wait3A_118] : memref<4x128xi32, #tpu.memory_space<vmem>> -> memref<1x128xi32, #tpu.memory_space<vmem>>
        %dma_wait3A_120 = tpu.memref_squeeze %dma_wait3A_119 : memref<1x128xi32, #tpu.memory_space<vmem>> -> memref<128xi32, #tpu.memory_space<vmem>>
        %dma_wait3A_121 = tpu.memref_slice %arg2[%multiple_of3A_28] : memref<320000xi32, #tpu.memory_space<hbm>> -> memref<128xi32, #tpu.memory_space<hbm>>
        %dma_wait3A_122 = arith.constant 0 : i32
        %dma_wait3A_123 = tpu.memref_slice %arg12[%run_scoped3A, %dma_wait3A_122] : memref<4x128xi32, #tpu.memory_space<vmem>> -> memref<1x128xi32, #tpu.memory_space<vmem>>
        %dma_wait3A_124 = tpu.memref_squeeze %dma_wait3A_123 : memref<1x128xi32, #tpu.memory_space<vmem>> -> memref<128xi32, #tpu.memory_space<vmem>>
        %dma_wait3A_125 = tpu.memref_slice %arg2[%multiple_of3A_28] : memref<320000xi32, #tpu.memory_space<hbm>> -> memref<128xi32, #tpu.memory_space<hbm>>
        tpu.wait_dma2 semaphore(%run_scoped3A_109 : memref<!tpu.dma_semaphore, #tpu.memory_space<semaphore_mem>>) src(%dma_wait3A_125 : memref<128xi32, #tpu.memory_space<hbm>>) dst(%dma_wait3A_124 : memref<128xi32, #tpu.memory_space<vmem>>)
        tpu.yield
      }) : () -> ()
      %multiple_of3A_29 = tpu.assume_multiple %mul3A_27, 128 : i32
      %run_scoped3A_30 = arith.constant 0 : i32
      "tpu.region"() ({
        %run_scoped3A_109 = tpu.sem_alloc : memref<!tpu.dma_semaphore, #tpu.memory_space<semaphore_mem>>
        %dma_start3A_110 = arith.constant 0 : i32
        %dma_start3A_111 = tpu.memref_slice %arg13[%run_scoped3A_30, %dma_start3A_110] : memref<4x128xi32, #tpu.memory_space<vmem>> -> memref<1x128xi32, #tpu.memory_space<vmem>>
        %dma_start3A_112 = tpu.memref_squeeze %dma_start3A_111 : memref<1x128xi32, #tpu.memory_space<vmem>> -> memref<128xi32, #tpu.memory_space<vmem>>
        %dma_start3A_113 = tpu.memref_slice %arg3[%multiple_of3A_29] : memref<320000xi32, #tpu.memory_space<hbm>> -> memref<128xi32, #tpu.memory_space<hbm>>
        %dma_start3A_114 = arith.constant 0 : i32
        %dma_start3A_115 = tpu.memref_slice %arg13[%run_scoped3A_30, %dma_start3A_114] : memref<4x128xi32, #tpu.memory_space<vmem>> -> memref<1x128xi32, #tpu.memory_space<vmem>>
        %dma_start3A_116 = tpu.memref_squeeze %dma_start3A_115 : memref<1x128xi32, #tpu.memory_space<vmem>> -> memref<128xi32, #tpu.memory_space<vmem>>
        %dma_start3A_117 = tpu.memref_slice %arg3[%multiple_of3A_29] : memref<320000xi32, #tpu.memory_space<hbm>> -> memref<128xi32, #tpu.memory_space<hbm>>
        tpu.enqueue_dma source(%dma_start3A_117 : memref<128xi32, #tpu.memory_space<hbm>>) target(%dma_start3A_116 : memref<128xi32, #tpu.memory_space<vmem>>) target_semaphore(%run_scoped3A_109 : memref<!tpu.dma_semaphore, #tpu.memory_space<semaphore_mem>>)
        %dma_wait3A_118 = arith.constant 0 : i32
        %dma_wait3A_119 = tpu.memref_slice %arg13[%run_scoped3A_30, %dma_wait3A_118] : memref<4x128xi32, #tpu.memory_space<vmem>> -> memref<1x128xi32, #tpu.memory_space<vmem>>
        %dma_wait3A_120 = tpu.memref_squeeze %dma_wait3A_119 : memref<1x128xi32, #tpu.memory_space<vmem>> -> memref<128xi32, #tpu.memory_space<vmem>>
        %dma_wait3A_121 = tpu.memref_slice %arg3[%multiple_of3A_29] : memref<320000xi32, #tpu.memory_space<hbm>> -> memref<128xi32, #tpu.memory_space<hbm>>
        %dma_wait3A_122 = arith.constant 0 : i32
        %dma_wait3A_123 = tpu.memref_slice %arg13[%run_scoped3A_30, %dma_wait3A_122] : memref<4x128xi32, #tpu.memory_space<vmem>> -> memref<1x128xi32, #tpu.memory_space<vmem>>
        %dma_wait3A_124 = tpu.memref_squeeze %dma_wait3A_123 : memref<1x128xi32, #tpu.memory_space<vmem>> -> memref<128xi32, #tpu.memory_space<vmem>>
        %dma_wait3A_125 = tpu.memref_slice %arg3[%multiple_of3A_29] : memref<320000xi32, #tpu.memory_space<hbm>> -> memref<128xi32, #tpu.memory_space<hbm>>
        tpu.wait_dma2 semaphore(%run_scoped3A_109 : memref<!tpu.dma_semaphore, #tpu.memory_space<semaphore_mem>>) src(%dma_wait3A_125 : memref<128xi32, #tpu.memory_space<hbm>>) dst(%dma_wait3A_124 : memref<128xi32, #tpu.memory_space<vmem>>)
        tpu.yield
      }) : () -> ()
      %dma_start3A = arith.constant 1 : i32
      %dma_start3A_31 = arith.constant 0 : i32
      %dma_start3A_32 = arith.constant 0 : i32
      %dma_start3A_33 = tpu.memref_slice %arg15[%dma_start3A, %dma_start3A_31, %dma_start3A_32] : memref<2x128x128xf32, #tpu.memory_space<vmem>> -> memref<1x128x128xf32, #tpu.memory_space<vmem>>
      %dma_start3A_34 = tpu.memref_squeeze %dma_start3A_33 : memref<1x128x128xf32, #tpu.memory_space<vmem>> -> memref<128x128xf32, #tpu.memory_space<vmem>>
      %dma_start3A_35 = arith.constant 0 : i32
      %dma_start3A_36 = arith.constant 0 : i32
      %dma_start3A_37 = tpu.memref_slice %arg4[%dma_start3A_35, %dma_start3A_36] : memref<10000x128xf32, #tpu.memory_space<hbm>> -> memref<128x128xf32, #tpu.memory_space<hbm>>
      %dma_start3A_38 = arith.constant 0 : i32
      %dma_start3A_39 = arith.constant 0 : i32
      %dma_start3A_40 = tpu.memref_slice %arg15[%dma_start3A, %dma_start3A_38, %dma_start3A_39] : memref<2x128x128xf32, #tpu.memory_space<vmem>> -> memref<1x128x128xf32, #tpu.memory_space<vmem>>
      %dma_start3A_41 = tpu.memref_squeeze %dma_start3A_40 : memref<1x128x128xf32, #tpu.memory_space<vmem>> -> memref<128x128xf32, #tpu.memory_space<vmem>>
      %dma_start3A_42 = arith.constant 0 : i32
      %dma_start3A_43 = arith.constant 0 : i32
      %dma_start3A_44 = tpu.memref_slice %arg4[%dma_start3A_42, %dma_start3A_43] : memref<10000x128xf32, #tpu.memory_space<hbm>> -> memref<128x128xf32, #tpu.memory_space<hbm>>
      tpu.enqueue_dma source(%dma_start3A_44 : memref<128x128xf32, #tpu.memory_space<hbm>>) target(%dma_start3A_41 : memref<128x128xf32, #tpu.memory_space<vmem>>) target_semaphore(%arg17 : memref<!tpu.dma_semaphore, #tpu.memory_space<semaphore_mem>>)
      %dma_start3A_45 = arith.constant 1 : i32
      %dma_start3A_46 = arith.constant 0 : i32
      %dma_start3A_47 = arith.constant 0 : i32
      %dma_start3A_48 = tpu.memref_slice %arg15[%dma_start3A_45, %dma_start3A_46, %dma_start3A_47] : memref<2x128x128xf32, #tpu.memory_space<vmem>> -> memref<1x128x128xf32, #tpu.memory_space<vmem>>
      %dma_start3A_49 = tpu.memref_squeeze %dma_start3A_48 : memref<1x128x128xf32, #tpu.memory_space<vmem>> -> memref<128x128xf32, #tpu.memory_space<vmem>>
      %dma_start3A_50 = arith.constant 0 : i32
      %dma_start3A_51 = arith.constant 0 : i32
      %dma_start3A_52 = tpu.memref_slice %arg4[%dma_start3A_50, %dma_start3A_51] : memref<10000x128xf32, #tpu.memory_space<hbm>> -> memref<128x128xf32, #tpu.memory_space<hbm>>
      %dma_start3A_53 = arith.constant 0 : i32
      %dma_start3A_54 = arith.constant 0 : i32
      %dma_start3A_55 = tpu.memref_slice %arg15[%dma_start3A_45, %dma_start3A_53, %dma_start3A_54] : memref<2x128x128xf32, #tpu.memory_space<vmem>> -> memref<1x128x128xf32, #tpu.memory_space<vmem>>
      %dma_start3A_56 = tpu.memref_squeeze %dma_start3A_55 : memref<1x128x128xf32, #tpu.memory_space<vmem>> -> memref<128x128xf32, #tpu.memory_space<vmem>>
      %dma_start3A_57 = arith.constant 0 : i32
      %dma_start3A_58 = arith.constant 0 : i32
      %dma_start3A_59 = tpu.memref_slice %arg4[%dma_start3A_57, %dma_start3A_58] : memref<10000x128xf32, #tpu.memory_space<hbm>> -> memref<128x128xf32, #tpu.memory_space<hbm>>
      tpu.enqueue_dma source(%dma_start3A_59 : memref<128x128xf32, #tpu.memory_space<hbm>>) target(%dma_start3A_56 : memref<128x128xf32, #tpu.memory_space<vmem>>) target_semaphore(%arg17 : memref<!tpu.dma_semaphore, #tpu.memory_space<semaphore_mem>>)
      %while3A = arith.constant 0 : i32
      %while3A_60 = arith.constant 0 : i32
      %while3A_61 = arith.subi %add3A_25, %while3A_60 : i32
      %while3A_62 = arith.addi %while3A_60, %while3A_61 : i32
      %while3A_63 = arith.constant 1 : i32
      %while3A_64 = arith.divsi %while3A_61, %while3A_63 : i32
      %while3A_65 = arith.muli %while3A_64, %while3A_63 : i32
      %while3A_66 = arith.addi %while3A_60, %while3A_65 : i32
      %while3A_67 = arith.constant 1 : i32
      scf.for %while3A_109 = %while3A_60 to %while3A_66 step %while3A_67  : i32 {
        %and3A = arith.constant 1 : i32
        %and3A_110 = arith.andi %while3A_109, %and3A : i32
        %and3A_111 = arith.constant 3 : i32
        %and3A_112 = arith.andi %while3A_109, %and3A_111 : i32
        %add3A_113 = arith.constant 1 : i32
        %add3A_114 = arith.addi %while3A_109, %add3A_113 : i32
        %and3A_115 = arith.constant 3 : i32
        %and3A_116 = arith.andi %add3A_114, %and3A_115 : i32
        %add3A_117 = arith.constant 1 : i32
        %add3A_118 = arith.addi %while3A_109, %add3A_117 : i32
        %sub3A = arith.constant 1 : i32
        %sub3A_119 = arith.subi %add3A_25, %sub3A : i32
        %min3A_120 = arith.minsi %add3A_118, %sub3A_119 : i32
        %mul3A_121 = arith.constant 128 : i32
        %mul3A_122 = arith.muli %min3A_120, %mul3A_121 : i32
        %add3A_123 = arith.addi %mul3A_27, %mul3A_122 : i32
        %multiple_of3A_124 = tpu.assume_multiple %add3A_123, 128 : i32
        %dma_wait3A_125 = arith.constant 0 : i32
        %dma_wait3A_126 = arith.constant 0 : i32
        %dma_wait3A_127 = tpu.memref_slice %arg15[%and3A_110, %dma_wait3A_125, %dma_wait3A_126] : memref<2x128x128xf32, #tpu.memory_space<vmem>> -> memref<1x128x128xf32, #tpu.memory_space<vmem>>
        %dma_wait3A_128 = tpu.memref_squeeze %dma_wait3A_127 : memref<1x128x128xf32, #tpu.memory_space<vmem>> -> memref<128x128xf32, #tpu.memory_space<vmem>>
        %dma_wait3A_129 = arith.constant 0 : i32
        %dma_wait3A_130 = arith.constant 0 : i32
        %dma_wait3A_131 = tpu.memref_slice %arg4[%dma_wait3A_129, %dma_wait3A_130] : memref<10000x128xf32, #tpu.memory_space<hbm>> -> memref<128x128xf32, #tpu.memory_space<hbm>>
        %dma_wait3A_132 = arith.constant 0 : i32
        %dma_wait3A_133 = arith.constant 0 : i32
        %dma_wait3A_134 = tpu.memref_slice %arg15[%and3A_110, %dma_wait3A_132, %dma_wait3A_133] : memref<2x128x128xf32, #tpu.memory_space<vmem>> -> memref<1x128x128xf32, #tpu.memory_space<vmem>>
        %dma_wait3A_135 = tpu.memref_squeeze %dma_wait3A_134 : memref<1x128x128xf32, #tpu.memory_space<vmem>> -> memref<128x128xf32, #tpu.memory_space<vmem>>
        %dma_wait3A_136 = arith.constant 0 : i32
        %dma_wait3A_137 = arith.constant 0 : i32
        %dma_wait3A_138 = tpu.memref_slice %arg4[%dma_wait3A_136, %dma_wait3A_137] : memref<10000x128xf32, #tpu.memory_space<hbm>> -> memref<128x128xf32, #tpu.memory_space<hbm>>
        tpu.wait_dma2 semaphore(%arg17 : memref<!tpu.dma_semaphore, #tpu.memory_space<semaphore_mem>>) src(%dma_wait3A_138 : memref<128x128xf32, #tpu.memory_space<hbm>>) dst(%dma_wait3A_135 : memref<128x128xf32, #tpu.memory_space<vmem>>)
        %dma_start3A_139 = arith.constant 0 : i32
        %dma_start3A_140 = tpu.memref_slice %arg12[%and3A_116, %dma_start3A_139] : memref<4x128xi32, #tpu.memory_space<vmem>> -> memref<1x128xi32, #tpu.memory_space<vmem>>
        %dma_start3A_141 = tpu.memref_squeeze %dma_start3A_140 : memref<1x128xi32, #tpu.memory_space<vmem>> -> memref<128xi32, #tpu.memory_space<vmem>>
        %dma_start3A_142 = tpu.memref_slice %arg2[%multiple_of3A_124] : memref<320000xi32, #tpu.memory_space<hbm>> -> memref<128xi32, #tpu.memory_space<hbm>>
        %dma_start3A_143 = arith.constant 0 : i32
        %dma_start3A_144 = tpu.memref_slice %arg12[%and3A_116, %dma_start3A_143] : memref<4x128xi32, #tpu.memory_space<vmem>> -> memref<1x128xi32, #tpu.memory_space<vmem>>
        %dma_start3A_145 = tpu.memref_squeeze %dma_start3A_144 : memref<1x128xi32, #tpu.memory_space<vmem>> -> memref<128xi32, #tpu.memory_space<vmem>>
        %dma_start3A_146 = tpu.memref_slice %arg2[%multiple_of3A_124] : memref<320000xi32, #tpu.memory_space<hbm>> -> memref<128xi32, #tpu.memory_space<hbm>>
        tpu.enqueue_dma source(%dma_start3A_146 : memref<128xi32, #tpu.memory_space<hbm>>) target(%dma_start3A_145 : memref<128xi32, #tpu.memory_space<vmem>>) target_semaphore(%arg18 : memref<!tpu.dma_semaphore, #tpu.memory_space<semaphore_mem>>)
        %dma_start3A_147 = arith.constant 0 : i32
        %dma_start3A_148 = tpu.memref_slice %arg13[%and3A_116, %dma_start3A_147] : memref<4x128xi32, #tpu.memory_space<vmem>> -> memref<1x128xi32, #tpu.memory_space<vmem>>
        %dma_start3A_149 = tpu.memref_squeeze %dma_start3A_148 : memref<1x128xi32, #tpu.memory_space<vmem>> -> memref<128xi32, #tpu.memory_space<vmem>>
        %dma_start3A_150 = tpu.memref_slice %arg3[%multiple_of3A_124] : memref<320000xi32, #tpu.memory_space<hbm>> -> memref<128xi32, #tpu.memory_space<hbm>>
        %dma_start3A_151 = arith.constant 0 : i32
        %dma_start3A_152 = tpu.memref_slice %arg13[%and3A_116, %dma_start3A_151] : memref<4x128xi32, #tpu.memory_space<vmem>> -> memref<1x128xi32, #tpu.memory_space<vmem>>
        %dma_start3A_153 = tpu.memref_squeeze %dma_start3A_152 : memref<1x128xi32, #tpu.memory_space<vmem>> -> memref<128xi32, #tpu.memory_space<vmem>>
        %dma_start3A_154 = tpu.memref_slice %arg3[%multiple_of3A_124] : memref<320000xi32, #tpu.memory_space<hbm>> -> memref<128xi32, #tpu.memory_space<hbm>>
        tpu.enqueue_dma source(%dma_start3A_154 : memref<128xi32, #tpu.memory_space<hbm>>) target(%dma_start3A_153 : memref<128xi32, #tpu.memory_space<vmem>>) target_semaphore(%arg18 : memref<!tpu.dma_semaphore, #tpu.memory_space<semaphore_mem>>)
        %dma_start3A_155 = arith.constant 0 : i32
        %dma_start3A_156 = arith.constant 0 : i32
        %dma_start3A_157 = tpu.memref_slice %arg15[%and3A_110, %dma_start3A_155, %dma_start3A_156] : memref<2x128x128xf32, #tpu.memory_space<vmem>> -> memref<1x128x128xf32, #tpu.memory_space<vmem>>
        %dma_start3A_158 = tpu.memref_squeeze %dma_start3A_157 : memref<1x128x128xf32, #tpu.memory_space<vmem>> -> memref<128x128xf32, #tpu.memory_space<vmem>>
        %dma_start3A_159 = arith.constant 0 : i32
        %dma_start3A_160 = tpu.memref_slice %arg12[%and3A_112, %dma_start3A_159] : memref<4x128xi32, #tpu.memory_space<vmem>> -> memref<1x128xi32, #tpu.memory_space<vmem>>
        %dma_start3A_161 = tpu.memref_squeeze %dma_start3A_160 : memref<1x128xi32, #tpu.memory_space<vmem>> -> memref<128xi32, #tpu.memory_space<vmem>>
        %dma_start3A_162 = arith.constant 0 : i32
        %dma_start3A_163 = arith.constant 0 : i32
        %dma_start3A_164 = tpu.memref_slice %arg4[%dma_start3A_162, %dma_start3A_163] : memref<10000x128xf32, #tpu.memory_space<hbm>> -> memref<10000x128xf32, #tpu.memory_space<hbm>>
        tpu.enqueue_indirect_dma source(%dma_start3A_164 : memref<10000x128xf32, #tpu.memory_space<hbm>>) target(%dma_start3A_158 : memref<128x128xf32, #tpu.memory_space<vmem>>) offsets(%dma_start3A_161 : memref<128xi32, #tpu.memory_space<vmem>>) semaphore(%arg16 : memref<!tpu.dma_semaphore, #tpu.memory_space<semaphore_mem>>)
        %dma_wait3A_165 = arith.constant 0 : i32
        %dma_wait3A_166 = arith.constant 0 : i32
        %dma_wait3A_167 = tpu.memref_slice %arg15[%and3A_110, %dma_wait3A_165, %dma_wait3A_166] : memref<2x128x128xf32, #tpu.memory_space<vmem>> -> memref<1x128x128xf32, #tpu.memory_space<vmem>>
        %dma_wait3A_168 = tpu.memref_squeeze %dma_wait3A_167 : memref<1x128x128xf32, #tpu.memory_space<vmem>> -> memref<128x128xf32, #tpu.memory_space<vmem>>
        %dma_wait3A_169 = arith.constant 0 : i32
        %dma_wait3A_170 = arith.constant 0 : i32
        %dma_wait3A_171 = tpu.memref_slice %arg4[%dma_wait3A_169, %dma_wait3A_170] : memref<10000x128xf32, #tpu.memory_space<hbm>> -> memref<128x128xf32, #tpu.memory_space<hbm>>
        %dma_wait3A_172 = arith.constant 0 : i32
        %dma_wait3A_173 = arith.constant 0 : i32
        %dma_wait3A_174 = tpu.memref_slice %arg15[%and3A_110, %dma_wait3A_172, %dma_wait3A_173] : memref<2x128x128xf32, #tpu.memory_space<vmem>> -> memref<1x128x128xf32, #tpu.memory_space<vmem>>
        %dma_wait3A_175 = tpu.memref_squeeze %dma_wait3A_174 : memref<1x128x128xf32, #tpu.memory_space<vmem>> -> memref<128x128xf32, #tpu.memory_space<vmem>>
        %dma_wait3A_176 = arith.constant 0 : i32
        %dma_wait3A_177 = arith.constant 0 : i32
        %dma_wait3A_178 = tpu.memref_slice %arg4[%dma_wait3A_176, %dma_wait3A_177] : memref<10000x128xf32, #tpu.memory_space<hbm>> -> memref<128x128xf32, #tpu.memory_space<hbm>>
        tpu.wait_dma2 semaphore(%arg16 : memref<!tpu.dma_semaphore, #tpu.memory_space<semaphore_mem>>) src(%dma_wait3A_178 : memref<128x128xf32, #tpu.memory_space<hbm>>) dst(%dma_wait3A_175 : memref<128x128xf32, #tpu.memory_space<vmem>>)
        %dma_start3A_179 = arith.constant 0 : i32
        %dma_start3A_180 = arith.constant 0 : i32
        %dma_start3A_181 = tpu.memref_slice %arg15[%and3A_110, %dma_start3A_179, %dma_start3A_180] : memref<2x128x128xf32, #tpu.memory_space<vmem>> -> memref<1x128x128xf32, #tpu.memory_space<vmem>>
        %dma_start3A_182 = tpu.memref_squeeze %dma_start3A_181 : memref<1x128x128xf32, #tpu.memory_space<vmem>> -> memref<128x128xf32, #tpu.memory_space<vmem>>
        %dma_start3A_183 = arith.constant 0 : i32
        %dma_start3A_184 = tpu.memref_slice %arg13[%and3A_112, %dma_start3A_183] : memref<4x128xi32, #tpu.memory_space<vmem>> -> memref<1x128xi32, #tpu.memory_space<vmem>>
        %dma_start3A_185 = tpu.memref_squeeze %dma_start3A_184 : memref<1x128xi32, #tpu.memory_space<vmem>> -> memref<128xi32, #tpu.memory_space<vmem>>
        %dma_start3A_186 = arith.constant 0 : i32
        %dma_start3A_187 = arith.constant 0 : i32
        %dma_start3A_188 = tpu.memref_slice %arg11[%dma_start3A_186, %dma_start3A_187] : memref<10000x128xf32, #tpu.memory_space<vmem_shared>> -> memref<10000x128xf32, #tpu.memory_space<vmem_shared>>
        tpu.enqueue_indirect_dma source(%dma_start3A_182 : memref<128x128xf32, #tpu.memory_space<vmem>>) target(%dma_start3A_188 : memref<10000x128xf32, #tpu.memory_space<vmem_shared>>) offsets(%dma_start3A_185 : memref<128xi32, #tpu.memory_space<vmem>>) semaphore(%arg17 : memref<!tpu.dma_semaphore, #tpu.memory_space<semaphore_mem>>) {add = true}
        %dma_wait3A_189 = arith.constant 0 : i32
        %dma_wait3A_190 = tpu.memref_slice %arg2[%dma_wait3A_189] : memref<320000xi32, #tpu.memory_space<hbm>> -> memref<256xi32, #tpu.memory_space<hbm>>
        %dma_wait3A_191 = arith.constant 0 : i32
        %dma_wait3A_192 = tpu.memref_slice %arg2[%dma_wait3A_191] : memref<320000xi32, #tpu.memory_space<hbm>> -> memref<256xi32, #tpu.memory_space<hbm>>
        tpu.wait_dma2 semaphore(%arg18 : memref<!tpu.dma_semaphore, #tpu.memory_space<semaphore_mem>>) src(%dma_wait3A_192 : memref<256xi32, #tpu.memory_space<hbm>>) dst(%arg14 : memref<256xi32, #tpu.memory_space<vmem>>)
      }
      %while3A_68 = arith.constant 1 : i32
      scf.for %while3A_109 = %while3A_66 to %while3A_62 step %while3A_68  : i32 {
        %and3A = arith.constant 1 : i32
        %and3A_110 = arith.andi %while3A_109, %and3A : i32
        %and3A_111 = arith.constant 3 : i32
        %and3A_112 = arith.andi %while3A_109, %and3A_111 : i32
        %add3A_113 = arith.constant 1 : i32
        %add3A_114 = arith.addi %while3A_109, %add3A_113 : i32
        %and3A_115 = arith.constant 3 : i32
        %and3A_116 = arith.andi %add3A_114, %and3A_115 : i32
        %add3A_117 = arith.constant 1 : i32
        %add3A_118 = arith.addi %while3A_109, %add3A_117 : i32
        %sub3A = arith.constant 1 : i32
        %sub3A_119 = arith.subi %add3A_25, %sub3A : i32
        %min3A_120 = arith.minsi %add3A_118, %sub3A_119 : i32
        %mul3A_121 = arith.constant 128 : i32
        %mul3A_122 = arith.muli %min3A_120, %mul3A_121 : i32
        %add3A_123 = arith.addi %mul3A_27, %mul3A_122 : i32
        %multiple_of3A_124 = tpu.assume_multiple %add3A_123, 128 : i32
        %dma_wait3A_125 = arith.constant 0 : i32
        %dma_wait3A_126 = arith.constant 0 : i32
        %dma_wait3A_127 = tpu.memref_slice %arg15[%and3A_110, %dma_wait3A_125, %dma_wait3A_126] : memref<2x128x128xf32, #tpu.memory_space<vmem>> -> memref<1x128x128xf32, #tpu.memory_space<vmem>>
        %dma_wait3A_128 = tpu.memref_squeeze %dma_wait3A_127 : memref<1x128x128xf32, #tpu.memory_space<vmem>> -> memref<128x128xf32, #tpu.memory_space<vmem>>
        %dma_wait3A_129 = arith.constant 0 : i32
        %dma_wait3A_130 = arith.constant 0 : i32
        %dma_wait3A_131 = tpu.memref_slice %arg4[%dma_wait3A_129, %dma_wait3A_130] : memref<10000x128xf32, #tpu.memory_space<hbm>> -> memref<128x128xf32, #tpu.memory_space<hbm>>
        %dma_wait3A_132 = arith.constant 0 : i32
        %dma_wait3A_133 = arith.constant 0 : i32
        %dma_wait3A_134 = tpu.memref_slice %arg15[%and3A_110, %dma_wait3A_132, %dma_wait3A_133] : memref<2x128x128xf32, #tpu.memory_space<vmem>> -> memref<1x128x128xf32, #tpu.memory_space<vmem>>
        %dma_wait3A_135 = tpu.memref_squeeze %dma_wait3A_134 : memref<1x128x128xf32, #tpu.memory_space<vmem>> -> memref<128x128xf32, #tpu.memory_space<vmem>>
        %dma_wait3A_136 = arith.constant 0 : i32
        %dma_wait3A_137 = arith.constant 0 : i32
        %dma_wait3A_138 = tpu.memref_slice %arg4[%dma_wait3A_136, %dma_wait3A_137] : memref<10000x128xf32, #tpu.memory_space<hbm>> -> memref<128x128xf32, #tpu.memory_space<hbm>>
        tpu.wait_dma2 semaphore(%arg17 : memref<!tpu.dma_semaphore, #tpu.memory_space<semaphore_mem>>) src(%dma_wait3A_138 : memref<128x128xf32, #tpu.memory_space<hbm>>) dst(%dma_wait3A_135 : memref<128x128xf32, #tpu.memory_space<vmem>>)
        %dma_start3A_139 = arith.constant 0 : i32
        %dma_start3A_140 = tpu.memref_slice %arg12[%and3A_116, %dma_start3A_139] : memref<4x128xi32, #tpu.memory_space<vmem>> -> memref<1x128xi32, #tpu.memory_space<vmem>>
        %dma_start3A_141 = tpu.memref_squeeze %dma_start3A_140 : memref<1x128xi32, #tpu.memory_space<vmem>> -> memref<128xi32, #tpu.memory_space<vmem>>
        %dma_start3A_142 = tpu.memref_slice %arg2[%multiple_of3A_124] : memref<320000xi32, #tpu.memory_space<hbm>> -> memref<128xi32, #tpu.memory_space<hbm>>
        %dma_start3A_143 = arith.constant 0 : i32
        %dma_start3A_144 = tpu.memref_slice %arg12[%and3A_116, %dma_start3A_143] : memref<4x128xi32, #tpu.memory_space<vmem>> -> memref<1x128xi32, #tpu.memory_space<vmem>>
        %dma_start3A_145 = tpu.memref_squeeze %dma_start3A_144 : memref<1x128xi32, #tpu.memory_space<vmem>> -> memref<128xi32, #tpu.memory_space<vmem>>
        %dma_start3A_146 = tpu.memref_slice %arg2[%multiple_of3A_124] : memref<320000xi32, #tpu.memory_space<hbm>> -> memref<128xi32, #tpu.memory_space<hbm>>
        tpu.enqueue_dma source(%dma_start3A_146 : memref<128xi32, #tpu.memory_space<hbm>>) target(%dma_start3A_145 : memref<128xi32, #tpu.memory_space<vmem>>) target_semaphore(%arg18 : memref<!tpu.dma_semaphore, #tpu.memory_space<semaphore_mem>>)
        %dma_start3A_147 = arith.constant 0 : i32
        %dma_start3A_148 = tpu.memref_slice %arg13[%and3A_116, %dma_start3A_147] : memref<4x128xi32, #tpu.memory_space<vmem>> -> memref<1x128xi32, #tpu.memory_space<vmem>>
        %dma_start3A_149 = tpu.memref_squeeze %dma_start3A_148 : memref<1x128xi32, #tpu.memory_space<vmem>> -> memref<128xi32, #tpu.memory_space<vmem>>
        %dma_start3A_150 = tpu.memref_slice %arg3[%multiple_of3A_124] : memref<320000xi32, #tpu.memory_space<hbm>> -> memref<128xi32, #tpu.memory_space<hbm>>
        %dma_start3A_151 = arith.constant 0 : i32
        %dma_start3A_152 = tpu.memref_slice %arg13[%and3A_116, %dma_start3A_151] : memref<4x128xi32, #tpu.memory_space<vmem>> -> memref<1x128xi32, #tpu.memory_space<vmem>>
        %dma_start3A_153 = tpu.memref_squeeze %dma_start3A_152 : memref<1x128xi32, #tpu.memory_space<vmem>> -> memref<128xi32, #tpu.memory_space<vmem>>
        %dma_start3A_154 = tpu.memref_slice %arg3[%multiple_of3A_124] : memref<320000xi32, #tpu.memory_space<hbm>> -> memref<128xi32, #tpu.memory_space<hbm>>
        tpu.enqueue_dma source(%dma_start3A_154 : memref<128xi32, #tpu.memory_space<hbm>>) target(%dma_start3A_153 : memref<128xi32, #tpu.memory_space<vmem>>) target_semaphore(%arg18 : memref<!tpu.dma_semaphore, #tpu.memory_space<semaphore_mem>>)
        %dma_start3A_155 = arith.constant 0 : i32
        %dma_start3A_156 = arith.constant 0 : i32
        %dma_start3A_157 = tpu.memref_slice %arg15[%and3A_110, %dma_start3A_155, %dma_start3A_156] : memref<2x128x128xf32, #tpu.memory_space<vmem>> -> memref<1x128x128xf32, #tpu.memory_space<vmem>>
        %dma_start3A_158 = tpu.memref_squeeze %dma_start3A_157 : memref<1x128x128xf32, #tpu.memory_space<vmem>> -> memref<128x128xf32, #tpu.memory_space<vmem>>
        %dma_start3A_159 = arith.constant 0 : i32
        %dma_start3A_160 = tpu.memref_slice %arg12[%and3A_112, %dma_start3A_159] : memref<4x128xi32, #tpu.memory_space<vmem>> -> memref<1x128xi32, #tpu.memory_space<vmem>>
        %dma_start3A_161 = tpu.memref_squeeze %dma_start3A_160 : memref<1x128xi32, #tpu.memory_space<vmem>> -> memref<128xi32, #tpu.memory_space<vmem>>
        %dma_start3A_162 = arith.constant 0 : i32
        %dma_start3A_163 = arith.constant 0 : i32
        %dma_start3A_164 = tpu.memref_slice %arg4[%dma_start3A_162, %dma_start3A_163] : memref<10000x128xf32, #tpu.memory_space<hbm>> -> memref<10000x128xf32, #tpu.memory_space<hbm>>
        tpu.enqueue_indirect_dma source(%dma_start3A_164 : memref<10000x128xf32, #tpu.memory_space<hbm>>) target(%dma_start3A_158 : memref<128x128xf32, #tpu.memory_space<vmem>>) offsets(%dma_start3A_161 : memref<128xi32, #tpu.memory_space<vmem>>) semaphore(%arg16 : memref<!tpu.dma_semaphore, #tpu.memory_space<semaphore_mem>>)
        %dma_wait3A_165 = arith.constant 0 : i32
        %dma_wait3A_166 = arith.constant 0 : i32
        %dma_wait3A_167 = tpu.memref_slice %arg15[%and3A_110, %dma_wait3A_165, %dma_wait3A_166] : memref<2x128x128xf32, #tpu.memory_space<vmem>> -> memref<1x128x128xf32, #tpu.memory_space<vmem>>
        %dma_wait3A_168 = tpu.memref_squeeze %dma_wait3A_167 : memref<1x128x128xf32, #tpu.memory_space<vmem>> -> memref<128x128xf32, #tpu.memory_space<vmem>>
        %dma_wait3A_169 = arith.constant 0 : i32
        %dma_wait3A_170 = arith.constant 0 : i32
        %dma_wait3A_171 = tpu.memref_slice %arg4[%dma_wait3A_169, %dma_wait3A_170] : memref<10000x128xf32, #tpu.memory_space<hbm>> -> memref<128x128xf32, #tpu.memory_space<hbm>>
        %dma_wait3A_172 = arith.constant 0 : i32
        %dma_wait3A_173 = arith.constant 0 : i32
        %dma_wait3A_174 = tpu.memref_slice %arg15[%and3A_110, %dma_wait3A_172, %dma_wait3A_173] : memref<2x128x128xf32, #tpu.memory_space<vmem>> -> memref<1x128x128xf32, #tpu.memory_space<vmem>>
        %dma_wait3A_175 = tpu.memref_squeeze %dma_wait3A_174 : memref<1x128x128xf32, #tpu.memory_space<vmem>> -> memref<128x128xf32, #tpu.memory_space<vmem>>
        %dma_wait3A_176 = arith.constant 0 : i32
        %dma_wait3A_177 = arith.constant 0 : i32
        %dma_wait3A_178 = tpu.memref_slice %arg4[%dma_wait3A_176, %dma_wait3A_177] : memref<10000x128xf32, #tpu.memory_space<hbm>> -> memref<128x128xf32, #tpu.memory_space<hbm>>
        tpu.wait_dma2 semaphore(%arg16 : memref<!tpu.dma_semaphore, #tpu.memory_space<semaphore_mem>>) src(%dma_wait3A_178 : memref<128x128xf32, #tpu.memory_space<hbm>>) dst(%dma_wait3A_175 : memref<128x128xf32, #tpu.memory_space<vmem>>)
        %dma_start3A_179 = arith.constant 0 : i32
        %dma_start3A_180 = arith.constant 0 : i32
        %dma_start3A_181 = tpu.memref_slice %arg15[%and3A_110, %dma_start3A_179, %dma_start3A_180] : memref<2x128x128xf32, #tpu.memory_space<vmem>> -> memref<1x128x128xf32, #tpu.memory_space<vmem>>
        %dma_start3A_182 = tpu.memref_squeeze %dma_start3A_181 : memref<1x128x128xf32, #tpu.memory_space<vmem>> -> memref<128x128xf32, #tpu.memory_space<vmem>>
        %dma_start3A_183 = arith.constant 0 : i32
        %dma_start3A_184 = tpu.memref_slice %arg13[%and3A_112, %dma_start3A_183] : memref<4x128xi32, #tpu.memory_space<vmem>> -> memref<1x128xi32, #tpu.memory_space<vmem>>
        %dma_start3A_185 = tpu.memref_squeeze %dma_start3A_184 : memref<1x128xi32, #tpu.memory_space<vmem>> -> memref<128xi32, #tpu.memory_space<vmem>>
        %dma_start3A_186 = arith.constant 0 : i32
        %dma_start3A_187 = arith.constant 0 : i32
        %dma_start3A_188 = tpu.memref_slice %arg11[%dma_start3A_186, %dma_start3A_187] : memref<10000x128xf32, #tpu.memory_space<vmem_shared>> -> memref<10000x128xf32, #tpu.memory_space<vmem_shared>>
        tpu.enqueue_indirect_dma source(%dma_start3A_182 : memref<128x128xf32, #tpu.memory_space<vmem>>) target(%dma_start3A_188 : memref<10000x128xf32, #tpu.memory_space<vmem_shared>>) offsets(%dma_start3A_185 : memref<128xi32, #tpu.memory_space<vmem>>) semaphore(%arg17 : memref<!tpu.dma_semaphore, #tpu.memory_space<semaphore_mem>>) {add = true}
        %dma_wait3A_189 = arith.constant 0 : i32
        %dma_wait3A_190 = tpu.memref_slice %arg2[%dma_wait3A_189] : memref<320000xi32, #tpu.memory_space<hbm>> -> memref<256xi32, #tpu.memory_space<hbm>>
        %dma_wait3A_191 = arith.constant 0 : i32
        %dma_wait3A_192 = tpu.memref_slice %arg2[%dma_wait3A_191] : memref<320000xi32, #tpu.memory_space<hbm>> -> memref<256xi32, #tpu.memory_space<hbm>>
        tpu.wait_dma2 semaphore(%arg18 : memref<!tpu.dma_semaphore, #tpu.memory_space<semaphore_mem>>) src(%dma_wait3A_192 : memref<256xi32, #tpu.memory_space<hbm>>) dst(%arg14 : memref<256xi32, #tpu.memory_space<vmem>>)
      }
      %dma_wait3A = arith.constant 0 : i32
      %dma_wait3A_69 = arith.constant 0 : i32
      %dma_wait3A_70 = arith.constant 0 : i32
      %dma_wait3A_71 = tpu.memref_slice %arg15[%dma_wait3A, %dma_wait3A_69, %dma_wait3A_70] : memref<2x128x128xf32, #tpu.memory_space<vmem>> -> memref<1x128x128xf32, #tpu.memory_space<vmem>>
      %dma_wait3A_72 = tpu.memref_squeeze %dma_wait3A_71 : memref<1x128x128xf32, #tpu.memory_space<vmem>> -> memref<128x128xf32, #tpu.memory_space<vmem>>
      %dma_wait3A_73 = arith.constant 0 : i32
      %dma_wait3A_74 = arith.constant 0 : i32
      %dma_wait3A_75 = tpu.memref_slice %arg4[%dma_wait3A_73, %dma_wait3A_74] : memref<10000x128xf32, #tpu.memory_space<hbm>> -> memref<128x128xf32, #tpu.memory_space<hbm>>
      %dma_wait3A_76 = arith.constant 0 : i32
      %dma_wait3A_77 = arith.constant 0 : i32
      %dma_wait3A_78 = tpu.memref_slice %arg15[%dma_wait3A, %dma_wait3A_76, %dma_wait3A_77] : memref<2x128x128xf32, #tpu.memory_space<vmem>> -> memref<1x128x128xf32, #tpu.memory_space<vmem>>
      %dma_wait3A_79 = tpu.memref_squeeze %dma_wait3A_78 : memref<1x128x128xf32, #tpu.memory_space<vmem>> -> memref<128x128xf32, #tpu.memory_space<vmem>>
      %dma_wait3A_80 = arith.constant 0 : i32
      %dma_wait3A_81 = arith.constant 0 : i32
      %dma_wait3A_82 = tpu.memref_slice %arg4[%dma_wait3A_80, %dma_wait3A_81] : memref<10000x128xf32, #tpu.memory_space<hbm>> -> memref<128x128xf32, #tpu.memory_space<hbm>>
      tpu.wait_dma2 semaphore(%arg17 : memref<!tpu.dma_semaphore, #tpu.memory_space<semaphore_mem>>) src(%dma_wait3A_82 : memref<128x128xf32, #tpu.memory_space<hbm>>) dst(%dma_wait3A_79 : memref<128x128xf32, #tpu.memory_space<vmem>>)
      %dma_wait3A_83 = arith.constant 0 : i32
      %dma_wait3A_84 = arith.constant 0 : i32
      %dma_wait3A_85 = arith.constant 0 : i32
      %dma_wait3A_86 = tpu.memref_slice %arg15[%dma_wait3A_83, %dma_wait3A_84, %dma_wait3A_85] : memref<2x128x128xf32, #tpu.memory_space<vmem>> -> memref<1x128x128xf32, #tpu.memory_space<vmem>>
      %dma_wait3A_87 = tpu.memref_squeeze %dma_wait3A_86 : memref<1x128x128xf32, #tpu.memory_space<vmem>> -> memref<128x128xf32, #tpu.memory_space<vmem>>
      %dma_wait3A_88 = arith.constant 0 : i32
      %dma_wait3A_89 = arith.constant 0 : i32
      %dma_wait3A_90 = tpu.memref_slice %arg4[%dma_wait3A_88, %dma_wait3A_89] : memref<10000x128xf32, #tpu.memory_space<hbm>> -> memref<128x128xf32, #tpu.memory_space<hbm>>
      %dma_wait3A_91 = arith.constant 0 : i32
      %dma_wait3A_92 = arith.constant 0 : i32
      %dma_wait3A_93 = tpu.memref_slice %arg15[%dma_wait3A_83, %dma_wait3A_91, %dma_wait3A_92] : memref<2x128x128xf32, #tpu.memory_space<vmem>> -> memref<1x128x128xf32, #tpu.memory_space<vmem>>
      %dma_wait3A_94 = tpu.memref_squeeze %dma_wait3A_93 : memref<1x128x128xf32, #tpu.memory_space<vmem>> -> memref<128x128xf32, #tpu.memory_space<vmem>>
      %dma_wait3A_95 = arith.constant 0 : i32
      %dma_wait3A_96 = arith.constant 0 : i32
      %dma_wait3A_97 = tpu.memref_slice %arg4[%dma_wait3A_95, %dma_wait3A_96] : memref<10000x128xf32, #tpu.memory_space<hbm>> -> memref<128x128xf32, #tpu.memory_space<hbm>>
      tpu.wait_dma2 semaphore(%arg17 : memref<!tpu.dma_semaphore, #tpu.memory_space<semaphore_mem>>) src(%dma_wait3A_97 : memref<128x128xf32, #tpu.memory_space<hbm>>) dst(%dma_wait3A_94 : memref<128x128xf32, #tpu.memory_space<vmem>>)
      %barrier3A_98 = arith.constant 0 : index
      tpu.barrier barrier_id(%barrier3A_98)
      %lt3A_99 = arith.constant 15 : i32
      %lt3A_100 = arith.cmpi slt, %arg1, %lt3A_99 : i32
      %convert_element_type3A_101 = arith.extui %lt3A_100 : i1 to i32
      %cond3A_102 = arith.constant 0 : i32
      %cond3A_103 = arith.cmpi ne, %convert_element_type3A_101, %cond3A_102 : i32
      scf.if %cond3A_103 {
        "tpu.region"() ({
          %run_scoped3A_109 = tpu.sem_alloc : memref<!tpu.dma_semaphore, #tpu.memory_space<semaphore_mem>>
          %dma_start3A_110 = arith.constant 0 : i32
          %dma_start3A_111 = tpu.memref_slice %arg9[%multiple_of3A, %dma_start3A_110] : memref<10000x128xf32, #tpu.memory_space<hbm>> -> memref<632x128xf32, #tpu.memory_space<hbm>>
          %dma_start3A_112 = arith.constant 0 : i32
          %dma_start3A_113 = tpu.memref_slice %arg11[%multiple_of3A, %dma_start3A_112] : memref<10000x128xf32, #tpu.memory_space<vmem_shared>> -> memref<632x128xf32, #tpu.memory_space<vmem_shared>>
          tpu.enqueue_dma source(%dma_start3A_113 : memref<632x128xf32, #tpu.memory_space<vmem_shared>>) target(%dma_start3A_111 : memref<632x128xf32, #tpu.memory_space<hbm>>) target_semaphore(%run_scoped3A_109 : memref<!tpu.dma_semaphore, #tpu.memory_space<semaphore_mem>>)
          %dma_wait3A_114 = arith.constant 0 : i32
          %dma_wait3A_115 = tpu.memref_slice %arg9[%multiple_of3A, %dma_wait3A_114] : memref<10000x128xf32, #tpu.memory_space<hbm>> -> memref<632x128xf32, #tpu.memory_space<hbm>>
          %dma_wait3A_116 = arith.constant 0 : i32
          %dma_wait3A_117 = tpu.memref_slice %arg11[%multiple_of3A, %dma_wait3A_116] : memref<10000x128xf32, #tpu.memory_space<vmem_shared>> -> memref<632x128xf32, #tpu.memory_space<vmem_shared>>
          tpu.wait_dma2 semaphore(%run_scoped3A_109 : memref<!tpu.dma_semaphore, #tpu.memory_space<semaphore_mem>>) src(%dma_wait3A_117 : memref<632x128xf32, #tpu.memory_space<vmem_shared>>) dst(%dma_wait3A_115 : memref<632x128xf32, #tpu.memory_space<hbm>>)
          tpu.yield
        }) : () -> ()
      } else {
      }
      %eq3A_104 = arith.constant 15 : i32
      %eq3A_105 = arith.cmpi eq, %arg1, %eq3A_104 : i32
      %convert_element_type3A_106 = arith.extui %eq3A_105 : i1 to i32
      %cond3A_107 = arith.constant 0 : i32
      %cond3A_108 = arith.cmpi ne, %convert_element_type3A_106, %cond3A_107 : i32
      scf.if %cond3A_108 {
        "tpu.region"() ({
          %run_scoped3A_109 = tpu.sem_alloc : memref<!tpu.dma_semaphore, #tpu.memory_space<semaphore_mem>>
          %dma_start3A_110 = arith.constant 9480 : i32
          %dma_start3A_111 = arith.constant 0 : i32
          %dma_start3A_112 = tpu.memref_slice %arg9[%dma_start3A_110, %dma_start3A_111] : memref<10000x128xf32, #tpu.memory_space<hbm>> -> memref<520x128xf32, #tpu.memory_space<hbm>>
          %dma_start3A_113 = arith.constant 9480 : i32
          %dma_start3A_114 = arith.constant 0 : i32
          %dma_start3A_115 = tpu.memref_slice %arg11[%dma_start3A_113, %dma_start3A_114] : memref<10000x128xf32, #tpu.memory_space<vmem_shared>> -> memref<520x128xf32, #tpu.memory_space<vmem_shared>>
          tpu.enqueue_dma source(%dma_start3A_115 : memref<520x128xf32, #tpu.memory_space<vmem_shared>>) target(%dma_start3A_112 : memref<520x128xf32, #tpu.memory_space<hbm>>) target_semaphore(%run_scoped3A_109 : memref<!tpu.dma_semaphore, #tpu.memory_space<semaphore_mem>>)
          %dma_wait3A_116 = arith.constant 9480 : i32
          %dma_wait3A_117 = arith.constant 0 : i32
          %dma_wait3A_118 = tpu.memref_slice %arg9[%dma_wait3A_116, %dma_wait3A_117] : memref<10000x128xf32, #tpu.memory_space<hbm>> -> memref<520x128xf32, #tpu.memory_space<hbm>>
          %dma_wait3A_119 = arith.constant 9480 : i32
          %dma_wait3A_120 = arith.constant 0 : i32
          %dma_wait3A_121 = tpu.memref_slice %arg11[%dma_wait3A_119, %dma_wait3A_120] : memref<10000x128xf32, #tpu.memory_space<vmem_shared>> -> memref<520x128xf32, #tpu.memory_space<vmem_shared>>
          tpu.wait_dma2 semaphore(%run_scoped3A_109 : memref<!tpu.dma_semaphore, #tpu.memory_space<semaphore_mem>>) src(%dma_wait3A_121 : memref<520x128xf32, #tpu.memory_space<vmem_shared>>) dst(%dma_wait3A_118 : memref<520x128xf32, #tpu.memory_space<hbm>>)
          tpu.yield
        }) : () -> ()
      } else {
      }
    } else {
    }
    %eq3A_2 = arith.constant 1 : i32
    %eq3A_3 = arith.cmpi eq, %arg0, %eq3A_2 : i32
    %convert_element_type3A_4 = arith.extui %eq3A_3 : i1 to i32
    %cond3A_5 = arith.constant 0 : i32
    %cond3A_6 = arith.cmpi ne, %convert_element_type3A_4, %cond3A_5 : i32
    scf.if %cond3A_6 {
      %mul3A = arith.constant 632 : i32
      %mul3A_7 = arith.muli %arg1, %mul3A : i32
      %multiple_of3A = tpu.assume_multiple %mul3A_7, 8 : i32
      %lt3A = arith.constant 15 : i32
      %lt3A_8 = arith.cmpi slt, %arg1, %lt3A : i32
      %convert_element_type3A_9 = arith.extui %lt3A_8 : i1 to i32
      %cond3A_10 = arith.constant 0 : i32
      %cond3A_11 = arith.cmpi ne, %convert_element_type3A_9, %cond3A_10 : i32
      scf.if %cond3A_11 {
        "tpu.region"() ({
          %run_scoped3A_109 = tpu.sem_alloc : memref<!tpu.dma_semaphore, #tpu.memory_space<semaphore_mem>>
          %dma_start3A_110 = arith.constant 0 : i32
          %dma_start3A_111 = tpu.memref_slice %arg11[%multiple_of3A, %dma_start3A_110] : memref<10000x128xf32, #tpu.memory_space<vmem_shared>> -> memref<632x128xf32, #tpu.memory_space<vmem_shared>>
          %dma_start3A_112 = arith.constant 0 : i32
          %dma_start3A_113 = tpu.memref_slice %arg8[%multiple_of3A, %dma_start3A_112] : memref<10000x128xf32, #tpu.memory_space<hbm>> -> memref<632x128xf32, #tpu.memory_space<hbm>>
          tpu.enqueue_dma source(%dma_start3A_113 : memref<632x128xf32, #tpu.memory_space<hbm>>) target(%dma_start3A_111 : memref<632x128xf32, #tpu.memory_space<vmem_shared>>) target_semaphore(%run_scoped3A_109 : memref<!tpu.dma_semaphore, #tpu.memory_space<semaphore_mem>>)
          %dma_wait3A_114 = arith.constant 0 : i32
          %dma_wait3A_115 = tpu.memref_slice %arg11[%multiple_of3A, %dma_wait3A_114] : memref<10000x128xf32, #tpu.memory_space<vmem_shared>> -> memref<632x128xf32, #tpu.memory_space<vmem_shared>>
          %dma_wait3A_116 = arith.constant 0 : i32
          %dma_wait3A_117 = tpu.memref_slice %arg8[%multiple_of3A, %dma_wait3A_116] : memref<10000x128xf32, #tpu.memory_space<hbm>> -> memref<632x128xf32, #tpu.memory_space<hbm>>
          tpu.wait_dma2 semaphore(%run_scoped3A_109 : memref<!tpu.dma_semaphore, #tpu.memory_space<semaphore_mem>>) src(%dma_wait3A_117 : memref<632x128xf32, #tpu.memory_space<hbm>>) dst(%dma_wait3A_115 : memref<632x128xf32, #tpu.memory_space<vmem_shared>>)
          tpu.yield
        }) : () -> ()
      } else {
      }
      %eq3A_12 = arith.constant 15 : i32
      %eq3A_13 = arith.cmpi eq, %arg1, %eq3A_12 : i32
      %convert_element_type3A_14 = arith.extui %eq3A_13 : i1 to i32
      %cond3A_15 = arith.constant 0 : i32
      %cond3A_16 = arith.cmpi ne, %convert_element_type3A_14, %cond3A_15 : i32
      scf.if %cond3A_16 {
        "tpu.region"() ({
          %run_scoped3A_109 = tpu.sem_alloc : memref<!tpu.dma_semaphore, #tpu.memory_space<semaphore_mem>>
          %dma_start3A_110 = arith.constant 9480 : i32
          %dma_start3A_111 = arith.constant 0 : i32
          %dma_start3A_112 = tpu.memref_slice %arg11[%dma_start3A_110, %dma_start3A_111] : memref<10000x128xf32, #tpu.memory_space<vmem_shared>> -> memref<520x128xf32, #tpu.memory_space<vmem_shared>>
          %dma_start3A_113 = arith.constant 9480 : i32
          %dma_start3A_114 = arith.constant 0 : i32
          %dma_start3A_115 = tpu.memref_slice %arg8[%dma_start3A_113, %dma_start3A_114] : memref<10000x128xf32, #tpu.memory_space<hbm>> -> memref<520x128xf32, #tpu.memory_space<hbm>>
          tpu.enqueue_dma source(%dma_start3A_115 : memref<520x128xf32, #tpu.memory_space<hbm>>) target(%dma_start3A_112 : memref<520x128xf32, #tpu.memory_space<vmem_shared>>) target_semaphore(%run_scoped3A_109 : memref<!tpu.dma_semaphore, #tpu.memory_space<semaphore_mem>>)
          %dma_wait3A_116 = arith.constant 9480 : i32
          %dma_wait3A_117 = arith.constant 0 : i32
          %dma_wait3A_118 = tpu.memref_slice %arg11[%dma_wait3A_116, %dma_wait3A_117] : memref<10000x128xf32, #tpu.memory_space<vmem_shared>> -> memref<520x128xf32, #tpu.memory_space<vmem_shared>>
          %dma_wait3A_119 = arith.constant 9480 : i32
          %dma_wait3A_120 = arith.constant 0 : i32
          %dma_wait3A_121 = tpu.memref_slice %arg8[%dma_wait3A_119, %dma_wait3A_120] : memref<10000x128xf32, #tpu.memory_space<hbm>> -> memref<520x128xf32, #tpu.memory_space<hbm>>
          tpu.wait_dma2 semaphore(%run_scoped3A_109 : memref<!tpu.dma_semaphore, #tpu.memory_space<semaphore_mem>>) src(%dma_wait3A_121 : memref<520x128xf32, #tpu.memory_space<hbm>>) dst(%dma_wait3A_118 : memref<520x128xf32, #tpu.memory_space<vmem_shared>>)
          tpu.yield
        }) : () -> ()
      } else {
      }
      %barrier3A = arith.constant 0 : index
      tpu.barrier barrier_id(%barrier3A)
      %mul3A_17 = arith.constant 156 : i32
      %mul3A_18 = arith.muli %arg1, %mul3A_17 : i32
      %min3A = arith.constant 4 : i32
      %min3A_19 = arith.minsi %arg1, %min3A : i32
      %add3A = arith.addi %mul3A_18, %min3A_19 : i32
      %lt3A_20 = arith.constant 4 : i32
      %lt3A_21 = arith.cmpi slt, %arg1, %lt3A_20 : i32
      %select_n3A = arith.constant 0 : i32
      %select_n3A_22 = arith.constant 1 : i32
      %select_n3A_23 = arith.select %lt3A_21, %select_n3A_22, %select_n3A : i32
      %add3A_24 = arith.constant 156 : i32
      %add3A_25 = arith.addi %add3A_24, %select_n3A_23 : i32
      %mul3A_26 = arith.constant 128 : i32
      %mul3A_27 = arith.muli %add3A, %mul3A_26 : i32
      %multiple_of3A_28 = tpu.assume_multiple %mul3A_27, 128 : i32
      %run_scoped3A = arith.constant 0 : i32
      "tpu.region"() ({
        %run_scoped3A_109 = tpu.sem_alloc : memref<!tpu.dma_semaphore, #tpu.memory_space<semaphore_mem>>
        %dma_start3A_110 = arith.constant 0 : i32
        %dma_start3A_111 = tpu.memref_slice %arg12[%run_scoped3A, %dma_start3A_110] : memref<4x128xi32, #tpu.memory_space<vmem>> -> memref<1x128xi32, #tpu.memory_space<vmem>>
        %dma_start3A_112 = tpu.memref_squeeze %dma_start3A_111 : memref<1x128xi32, #tpu.memory_space<vmem>> -> memref<128xi32, #tpu.memory_space<vmem>>
        %dma_start3A_113 = tpu.memref_slice %arg5[%multiple_of3A_28] : memref<320000xi32, #tpu.memory_space<hbm>> -> memref<128xi32, #tpu.memory_space<hbm>>
        %dma_start3A_114 = arith.constant 0 : i32
        %dma_start3A_115 = tpu.memref_slice %arg12[%run_scoped3A, %dma_start3A_114] : memref<4x128xi32, #tpu.memory_space<vmem>> -> memref<1x128xi32, #tpu.memory_space<vmem>>
        %dma_start3A_116 = tpu.memref_squeeze %dma_start3A_115 : memref<1x128xi32, #tpu.memory_space<vmem>> -> memref<128xi32, #tpu.memory_space<vmem>>
        %dma_start3A_117 = tpu.memref_slice %arg5[%multiple_of3A_28] : memref<320000xi32, #tpu.memory_space<hbm>> -> memref<128xi32, #tpu.memory_space<hbm>>
        tpu.enqueue_dma source(%dma_start3A_117 : memref<128xi32, #tpu.memory_space<hbm>>) target(%dma_start3A_116 : memref<128xi32, #tpu.memory_space<vmem>>) target_semaphore(%run_scoped3A_109 : memref<!tpu.dma_semaphore, #tpu.memory_space<semaphore_mem>>)
        %dma_wait3A_118 = arith.constant 0 : i32
        %dma_wait3A_119 = tpu.memref_slice %arg12[%run_scoped3A, %dma_wait3A_118] : memref<4x128xi32, #tpu.memory_space<vmem>> -> memref<1x128xi32, #tpu.memory_space<vmem>>
        %dma_wait3A_120 = tpu.memref_squeeze %dma_wait3A_119 : memref<1x128xi32, #tpu.memory_space<vmem>> -> memref<128xi32, #tpu.memory_space<vmem>>
        %dma_wait3A_121 = tpu.memref_slice %arg5[%multiple_of3A_28] : memref<320000xi32, #tpu.memory_space<hbm>> -> memref<128xi32, #tpu.memory_space<hbm>>
        %dma_wait3A_122 = arith.constant 0 : i32
        %dma_wait3A_123 = tpu.memref_slice %arg12[%run_scoped3A, %dma_wait3A_122] : memref<4x128xi32, #tpu.memory_space<vmem>> -> memref<1x128xi32, #tpu.memory_space<vmem>>
        %dma_wait3A_124 = tpu.memref_squeeze %dma_wait3A_123 : memref<1x128xi32, #tpu.memory_space<vmem>> -> memref<128xi32, #tpu.memory_space<vmem>>
        %dma_wait3A_125 = tpu.memref_slice %arg5[%multiple_of3A_28] : memref<320000xi32, #tpu.memory_space<hbm>> -> memref<128xi32, #tpu.memory_space<hbm>>
        tpu.wait_dma2 semaphore(%run_scoped3A_109 : memref<!tpu.dma_semaphore, #tpu.memory_space<semaphore_mem>>) src(%dma_wait3A_125 : memref<128xi32, #tpu.memory_space<hbm>>) dst(%dma_wait3A_124 : memref<128xi32, #tpu.memory_space<vmem>>)
        tpu.yield
      }) : () -> ()
      %multiple_of3A_29 = tpu.assume_multiple %mul3A_27, 128 : i32
      %run_scoped3A_30 = arith.constant 0 : i32
      "tpu.region"() ({
        %run_scoped3A_109 = tpu.sem_alloc : memref<!tpu.dma_semaphore, #tpu.memory_space<semaphore_mem>>
        %dma_start3A_110 = arith.constant 0 : i32
        %dma_start3A_111 = tpu.memref_slice %arg13[%run_scoped3A_30, %dma_start3A_110] : memref<4x128xi32, #tpu.memory_space<vmem>> -> memref<1x128xi32, #tpu.memory_space<vmem>>
        %dma_start3A_112 = tpu.memref_squeeze %dma_start3A_111 : memref<1x128xi32, #tpu.memory_space<vmem>> -> memref<128xi32, #tpu.memory_space<vmem>>
        %dma_start3A_113 = tpu.memref_slice %arg6[%multiple_of3A_29] : memref<320000xi32, #tpu.memory_space<hbm>> -> memref<128xi32, #tpu.memory_space<hbm>>
        %dma_start3A_114 = arith.constant 0 : i32
        %dma_start3A_115 = tpu.memref_slice %arg13[%run_scoped3A_30, %dma_start3A_114] : memref<4x128xi32, #tpu.memory_space<vmem>> -> memref<1x128xi32, #tpu.memory_space<vmem>>
        %dma_start3A_116 = tpu.memref_squeeze %dma_start3A_115 : memref<1x128xi32, #tpu.memory_space<vmem>> -> memref<128xi32, #tpu.memory_space<vmem>>
        %dma_start3A_117 = tpu.memref_slice %arg6[%multiple_of3A_29] : memref<320000xi32, #tpu.memory_space<hbm>> -> memref<128xi32, #tpu.memory_space<hbm>>
        tpu.enqueue_dma source(%dma_start3A_117 : memref<128xi32, #tpu.memory_space<hbm>>) target(%dma_start3A_116 : memref<128xi32, #tpu.memory_space<vmem>>) target_semaphore(%run_scoped3A_109 : memref<!tpu.dma_semaphore, #tpu.memory_space<semaphore_mem>>)
        %dma_wait3A_118 = arith.constant 0 : i32
        %dma_wait3A_119 = tpu.memref_slice %arg13[%run_scoped3A_30, %dma_wait3A_118] : memref<4x128xi32, #tpu.memory_space<vmem>> -> memref<1x128xi32, #tpu.memory_space<vmem>>
        %dma_wait3A_120 = tpu.memref_squeeze %dma_wait3A_119 : memref<1x128xi32, #tpu.memory_space<vmem>> -> memref<128xi32, #tpu.memory_space<vmem>>
        %dma_wait3A_121 = tpu.memref_slice %arg6[%multiple_of3A_29] : memref<320000xi32, #tpu.memory_space<hbm>> -> memref<128xi32, #tpu.memory_space<hbm>>
        %dma_wait3A_122 = arith.constant 0 : i32
        %dma_wait3A_123 = tpu.memref_slice %arg13[%run_scoped3A_30, %dma_wait3A_122] : memref<4x128xi32, #tpu.memory_space<vmem>> -> memref<1x128xi32, #tpu.memory_space<vmem>>
        %dma_wait3A_124 = tpu.memref_squeeze %dma_wait3A_123 : memref<1x128xi32, #tpu.memory_space<vmem>> -> memref<128xi32, #tpu.memory_space<vmem>>
        %dma_wait3A_125 = tpu.memref_slice %arg6[%multiple_of3A_29] : memref<320000xi32, #tpu.memory_space<hbm>> -> memref<128xi32, #tpu.memory_space<hbm>>
        tpu.wait_dma2 semaphore(%run_scoped3A_109 : memref<!tpu.dma_semaphore, #tpu.memory_space<semaphore_mem>>) src(%dma_wait3A_125 : memref<128xi32, #tpu.memory_space<hbm>>) dst(%dma_wait3A_124 : memref<128xi32, #tpu.memory_space<vmem>>)
        tpu.yield
      }) : () -> ()
      %dma_start3A = arith.constant 1 : i32
      %dma_start3A_31 = arith.constant 0 : i32
      %dma_start3A_32 = arith.constant 0 : i32
      %dma_start3A_33 = tpu.memref_slice %arg15[%dma_start3A, %dma_start3A_31, %dma_start3A_32] : memref<2x128x128xf32, #tpu.memory_space<vmem>> -> memref<1x128x128xf32, #tpu.memory_space<vmem>>
      %dma_start3A_34 = tpu.memref_squeeze %dma_start3A_33 : memref<1x128x128xf32, #tpu.memory_space<vmem>> -> memref<128x128xf32, #tpu.memory_space<vmem>>
      %dma_start3A_35 = arith.constant 0 : i32
      %dma_start3A_36 = arith.constant 0 : i32
      %dma_start3A_37 = tpu.memref_slice %arg7[%dma_start3A_35, %dma_start3A_36] : memref<10000x128xf32, #tpu.memory_space<hbm>> -> memref<128x128xf32, #tpu.memory_space<hbm>>
      %dma_start3A_38 = arith.constant 0 : i32
      %dma_start3A_39 = arith.constant 0 : i32
      %dma_start3A_40 = tpu.memref_slice %arg15[%dma_start3A, %dma_start3A_38, %dma_start3A_39] : memref<2x128x128xf32, #tpu.memory_space<vmem>> -> memref<1x128x128xf32, #tpu.memory_space<vmem>>
      %dma_start3A_41 = tpu.memref_squeeze %dma_start3A_40 : memref<1x128x128xf32, #tpu.memory_space<vmem>> -> memref<128x128xf32, #tpu.memory_space<vmem>>
      %dma_start3A_42 = arith.constant 0 : i32
      %dma_start3A_43 = arith.constant 0 : i32
      %dma_start3A_44 = tpu.memref_slice %arg7[%dma_start3A_42, %dma_start3A_43] : memref<10000x128xf32, #tpu.memory_space<hbm>> -> memref<128x128xf32, #tpu.memory_space<hbm>>
      tpu.enqueue_dma source(%dma_start3A_44 : memref<128x128xf32, #tpu.memory_space<hbm>>) target(%dma_start3A_41 : memref<128x128xf32, #tpu.memory_space<vmem>>) target_semaphore(%arg17 : memref<!tpu.dma_semaphore, #tpu.memory_space<semaphore_mem>>)
      %dma_start3A_45 = arith.constant 1 : i32
      %dma_start3A_46 = arith.constant 0 : i32
      %dma_start3A_47 = arith.constant 0 : i32
      %dma_start3A_48 = tpu.memref_slice %arg15[%dma_start3A_45, %dma_start3A_46, %dma_start3A_47] : memref<2x128x128xf32, #tpu.memory_space<vmem>> -> memref<1x128x128xf32, #tpu.memory_space<vmem>>
      %dma_start3A_49 = tpu.memref_squeeze %dma_start3A_48 : memref<1x128x128xf32, #tpu.memory_space<vmem>> -> memref<128x128xf32, #tpu.memory_space<vmem>>
      %dma_start3A_50 = arith.constant 0 : i32
      %dma_start3A_51 = arith.constant 0 : i32
      %dma_start3A_52 = tpu.memref_slice %arg7[%dma_start3A_50, %dma_start3A_51] : memref<10000x128xf32, #tpu.memory_space<hbm>> -> memref<128x128xf32, #tpu.memory_space<hbm>>
      %dma_start3A_53 = arith.constant 0 : i32
      %dma_start3A_54 = arith.constant 0 : i32
      %dma_start3A_55 = tpu.memref_slice %arg15[%dma_start3A_45, %dma_start3A_53, %dma_start3A_54] : memref<2x128x128xf32, #tpu.memory_space<vmem>> -> memref<1x128x128xf32, #tpu.memory_space<vmem>>
      %dma_start3A_56 = tpu.memref_squeeze %dma_start3A_55 : memref<1x128x128xf32, #tpu.memory_space<vmem>> -> memref<128x128xf32, #tpu.memory_space<vmem>>
      %dma_start3A_57 = arith.constant 0 : i32
      %dma_start3A_58 = arith.constant 0 : i32
      %dma_start3A_59 = tpu.memref_slice %arg7[%dma_start3A_57, %dma_start3A_58] : memref<10000x128xf32, #tpu.memory_space<hbm>> -> memref<128x128xf32, #tpu.memory_space<hbm>>
      tpu.enqueue_dma source(%dma_start3A_59 : memref<128x128xf32, #tpu.memory_space<hbm>>) target(%dma_start3A_56 : memref<128x128xf32, #tpu.memory_space<vmem>>) target_semaphore(%arg17 : memref<!tpu.dma_semaphore, #tpu.memory_space<semaphore_mem>>)
      %while3A = arith.constant 0 : i32
      %while3A_60 = arith.constant 0 : i32
      %while3A_61 = arith.subi %add3A_25, %while3A_60 : i32
      %while3A_62 = arith.addi %while3A_60, %while3A_61 : i32
      %while3A_63 = arith.constant 1 : i32
      %while3A_64 = arith.divsi %while3A_61, %while3A_63 : i32
      %while3A_65 = arith.muli %while3A_64, %while3A_63 : i32
      %while3A_66 = arith.addi %while3A_60, %while3A_65 : i32
      %while3A_67 = arith.constant 1 : i32
      scf.for %while3A_109 = %while3A_60 to %while3A_66 step %while3A_67  : i32 {
        %and3A = arith.constant 1 : i32
        %and3A_110 = arith.andi %while3A_109, %and3A : i32
        %and3A_111 = arith.constant 3 : i32
        %and3A_112 = arith.andi %while3A_109, %and3A_111 : i32
        %add3A_113 = arith.constant 1 : i32
        %add3A_114 = arith.addi %while3A_109, %add3A_113 : i32
        %and3A_115 = arith.constant 3 : i32
        %and3A_116 = arith.andi %add3A_114, %and3A_115 : i32
        %add3A_117 = arith.constant 1 : i32
        %add3A_118 = arith.addi %while3A_109, %add3A_117 : i32
        %sub3A = arith.constant 1 : i32
        %sub3A_119 = arith.subi %add3A_25, %sub3A : i32
        %min3A_120 = arith.minsi %add3A_118, %sub3A_119 : i32
        %mul3A_121 = arith.constant 128 : i32
        %mul3A_122 = arith.muli %min3A_120, %mul3A_121 : i32
        %add3A_123 = arith.addi %mul3A_27, %mul3A_122 : i32
        %multiple_of3A_124 = tpu.assume_multiple %add3A_123, 128 : i32
        %dma_wait3A_125 = arith.constant 0 : i32
        %dma_wait3A_126 = arith.constant 0 : i32
        %dma_wait3A_127 = tpu.memref_slice %arg15[%and3A_110, %dma_wait3A_125, %dma_wait3A_126] : memref<2x128x128xf32, #tpu.memory_space<vmem>> -> memref<1x128x128xf32, #tpu.memory_space<vmem>>
        %dma_wait3A_128 = tpu.memref_squeeze %dma_wait3A_127 : memref<1x128x128xf32, #tpu.memory_space<vmem>> -> memref<128x128xf32, #tpu.memory_space<vmem>>
        %dma_wait3A_129 = arith.constant 0 : i32
        %dma_wait3A_130 = arith.constant 0 : i32
        %dma_wait3A_131 = tpu.memref_slice %arg7[%dma_wait3A_129, %dma_wait3A_130] : memref<10000x128xf32, #tpu.memory_space<hbm>> -> memref<128x128xf32, #tpu.memory_space<hbm>>
        %dma_wait3A_132 = arith.constant 0 : i32
        %dma_wait3A_133 = arith.constant 0 : i32
        %dma_wait3A_134 = tpu.memref_slice %arg15[%and3A_110, %dma_wait3A_132, %dma_wait3A_133] : memref<2x128x128xf32, #tpu.memory_space<vmem>> -> memref<1x128x128xf32, #tpu.memory_space<vmem>>
        %dma_wait3A_135 = tpu.memref_squeeze %dma_wait3A_134 : memref<1x128x128xf32, #tpu.memory_space<vmem>> -> memref<128x128xf32, #tpu.memory_space<vmem>>
        %dma_wait3A_136 = arith.constant 0 : i32
        %dma_wait3A_137 = arith.constant 0 : i32
        %dma_wait3A_138 = tpu.memref_slice %arg7[%dma_wait3A_136, %dma_wait3A_137] : memref<10000x128xf32, #tpu.memory_space<hbm>> -> memref<128x128xf32, #tpu.memory_space<hbm>>
        tpu.wait_dma2 semaphore(%arg17 : memref<!tpu.dma_semaphore, #tpu.memory_space<semaphore_mem>>) src(%dma_wait3A_138 : memref<128x128xf32, #tpu.memory_space<hbm>>) dst(%dma_wait3A_135 : memref<128x128xf32, #tpu.memory_space<vmem>>)
        %dma_start3A_139 = arith.constant 0 : i32
        %dma_start3A_140 = tpu.memref_slice %arg12[%and3A_116, %dma_start3A_139] : memref<4x128xi32, #tpu.memory_space<vmem>> -> memref<1x128xi32, #tpu.memory_space<vmem>>
        %dma_start3A_141 = tpu.memref_squeeze %dma_start3A_140 : memref<1x128xi32, #tpu.memory_space<vmem>> -> memref<128xi32, #tpu.memory_space<vmem>>
        %dma_start3A_142 = tpu.memref_slice %arg5[%multiple_of3A_124] : memref<320000xi32, #tpu.memory_space<hbm>> -> memref<128xi32, #tpu.memory_space<hbm>>
        %dma_start3A_143 = arith.constant 0 : i32
        %dma_start3A_144 = tpu.memref_slice %arg12[%and3A_116, %dma_start3A_143] : memref<4x128xi32, #tpu.memory_space<vmem>> -> memref<1x128xi32, #tpu.memory_space<vmem>>
        %dma_start3A_145 = tpu.memref_squeeze %dma_start3A_144 : memref<1x128xi32, #tpu.memory_space<vmem>> -> memref<128xi32, #tpu.memory_space<vmem>>
        %dma_start3A_146 = tpu.memref_slice %arg5[%multiple_of3A_124] : memref<320000xi32, #tpu.memory_space<hbm>> -> memref<128xi32, #tpu.memory_space<hbm>>
        tpu.enqueue_dma source(%dma_start3A_146 : memref<128xi32, #tpu.memory_space<hbm>>) target(%dma_start3A_145 : memref<128xi32, #tpu.memory_space<vmem>>) target_semaphore(%arg18 : memref<!tpu.dma_semaphore, #tpu.memory_space<semaphore_mem>>)
        %dma_start3A_147 = arith.constant 0 : i32
        %dma_start3A_148 = tpu.memref_slice %arg13[%and3A_116, %dma_start3A_147] : memref<4x128xi32, #tpu.memory_space<vmem>> -> memref<1x128xi32, #tpu.memory_space<vmem>>
        %dma_start3A_149 = tpu.memref_squeeze %dma_start3A_148 : memref<1x128xi32, #tpu.memory_space<vmem>> -> memref<128xi32, #tpu.memory_space<vmem>>
        %dma_start3A_150 = tpu.memref_slice %arg6[%multiple_of3A_124] : memref<320000xi32, #tpu.memory_space<hbm>> -> memref<128xi32, #tpu.memory_space<hbm>>
        %dma_start3A_151 = arith.constant 0 : i32
        %dma_start3A_152 = tpu.memref_slice %arg13[%and3A_116, %dma_start3A_151] : memref<4x128xi32, #tpu.memory_space<vmem>> -> memref<1x128xi32, #tpu.memory_space<vmem>>
        %dma_start3A_153 = tpu.memref_squeeze %dma_start3A_152 : memref<1x128xi32, #tpu.memory_space<vmem>> -> memref<128xi32, #tpu.memory_space<vmem>>
        %dma_start3A_154 = tpu.memref_slice %arg6[%multiple_of3A_124] : memref<320000xi32, #tpu.memory_space<hbm>> -> memref<128xi32, #tpu.memory_space<hbm>>
        tpu.enqueue_dma source(%dma_start3A_154 : memref<128xi32, #tpu.memory_space<hbm>>) target(%dma_start3A_153 : memref<128xi32, #tpu.memory_space<vmem>>) target_semaphore(%arg18 : memref<!tpu.dma_semaphore, #tpu.memory_space<semaphore_mem>>)
        %dma_start3A_155 = arith.constant 0 : i32
        %dma_start3A_156 = arith.constant 0 : i32
        %dma_start3A_157 = tpu.memref_slice %arg15[%and3A_110, %dma_start3A_155, %dma_start3A_156] : memref<2x128x128xf32, #tpu.memory_space<vmem>> -> memref<1x128x128xf32, #tpu.memory_space<vmem>>
        %dma_start3A_158 = tpu.memref_squeeze %dma_start3A_157 : memref<1x128x128xf32, #tpu.memory_space<vmem>> -> memref<128x128xf32, #tpu.memory_space<vmem>>
        %dma_start3A_159 = arith.constant 0 : i32
        %dma_start3A_160 = tpu.memref_slice %arg12[%and3A_112, %dma_start3A_159] : memref<4x128xi32, #tpu.memory_space<vmem>> -> memref<1x128xi32, #tpu.memory_space<vmem>>
        %dma_start3A_161 = tpu.memref_squeeze %dma_start3A_160 : memref<1x128xi32, #tpu.memory_space<vmem>> -> memref<128xi32, #tpu.memory_space<vmem>>
        %dma_start3A_162 = arith.constant 0 : i32
        %dma_start3A_163 = arith.constant 0 : i32
        %dma_start3A_164 = tpu.memref_slice %arg7[%dma_start3A_162, %dma_start3A_163] : memref<10000x128xf32, #tpu.memory_space<hbm>> -> memref<10000x128xf32, #tpu.memory_space<hbm>>
        tpu.enqueue_indirect_dma source(%dma_start3A_164 : memref<10000x128xf32, #tpu.memory_space<hbm>>) target(%dma_start3A_158 : memref<128x128xf32, #tpu.memory_space<vmem>>) offsets(%dma_start3A_161 : memref<128xi32, #tpu.memory_space<vmem>>) semaphore(%arg16 : memref<!tpu.dma_semaphore, #tpu.memory_space<semaphore_mem>>)
        %dma_wait3A_165 = arith.constant 0 : i32
        %dma_wait3A_166 = arith.constant 0 : i32
        %dma_wait3A_167 = tpu.memref_slice %arg15[%and3A_110, %dma_wait3A_165, %dma_wait3A_166] : memref<2x128x128xf32, #tpu.memory_space<vmem>> -> memref<1x128x128xf32, #tpu.memory_space<vmem>>
        %dma_wait3A_168 = tpu.memref_squeeze %dma_wait3A_167 : memref<1x128x128xf32, #tpu.memory_space<vmem>> -> memref<128x128xf32, #tpu.memory_space<vmem>>
        %dma_wait3A_169 = arith.constant 0 : i32
        %dma_wait3A_170 = arith.constant 0 : i32
        %dma_wait3A_171 = tpu.memref_slice %arg7[%dma_wait3A_169, %dma_wait3A_170] : memref<10000x128xf32, #tpu.memory_space<hbm>> -> memref<128x128xf32, #tpu.memory_space<hbm>>
        %dma_wait3A_172 = arith.constant 0 : i32
        %dma_wait3A_173 = arith.constant 0 : i32
        %dma_wait3A_174 = tpu.memref_slice %arg15[%and3A_110, %dma_wait3A_172, %dma_wait3A_173] : memref<2x128x128xf32, #tpu.memory_space<vmem>> -> memref<1x128x128xf32, #tpu.memory_space<vmem>>
        %dma_wait3A_175 = tpu.memref_squeeze %dma_wait3A_174 : memref<1x128x128xf32, #tpu.memory_space<vmem>> -> memref<128x128xf32, #tpu.memory_space<vmem>>
        %dma_wait3A_176 = arith.constant 0 : i32
        %dma_wait3A_177 = arith.constant 0 : i32
        %dma_wait3A_178 = tpu.memref_slice %arg7[%dma_wait3A_176, %dma_wait3A_177] : memref<10000x128xf32, #tpu.memory_space<hbm>> -> memref<128x128xf32, #tpu.memory_space<hbm>>
        tpu.wait_dma2 semaphore(%arg16 : memref<!tpu.dma_semaphore, #tpu.memory_space<semaphore_mem>>) src(%dma_wait3A_178 : memref<128x128xf32, #tpu.memory_space<hbm>>) dst(%dma_wait3A_175 : memref<128x128xf32, #tpu.memory_space<vmem>>)
        %dma_start3A_179 = arith.constant 0 : i32
        %dma_start3A_180 = arith.constant 0 : i32
        %dma_start3A_181 = tpu.memref_slice %arg15[%and3A_110, %dma_start3A_179, %dma_start3A_180] : memref<2x128x128xf32, #tpu.memory_space<vmem>> -> memref<1x128x128xf32, #tpu.memory_space<vmem>>
        %dma_start3A_182 = tpu.memref_squeeze %dma_start3A_181 : memref<1x128x128xf32, #tpu.memory_space<vmem>> -> memref<128x128xf32, #tpu.memory_space<vmem>>
        %dma_start3A_183 = arith.constant 0 : i32
        %dma_start3A_184 = tpu.memref_slice %arg13[%and3A_112, %dma_start3A_183] : memref<4x128xi32, #tpu.memory_space<vmem>> -> memref<1x128xi32, #tpu.memory_space<vmem>>
        %dma_start3A_185 = tpu.memref_squeeze %dma_start3A_184 : memref<1x128xi32, #tpu.memory_space<vmem>> -> memref<128xi32, #tpu.memory_space<vmem>>
        %dma_start3A_186 = arith.constant 0 : i32
        %dma_start3A_187 = arith.constant 0 : i32
        %dma_start3A_188 = tpu.memref_slice %arg11[%dma_start3A_186, %dma_start3A_187] : memref<10000x128xf32, #tpu.memory_space<vmem_shared>> -> memref<10000x128xf32, #tpu.memory_space<vmem_shared>>
        tpu.enqueue_indirect_dma source(%dma_start3A_182 : memref<128x128xf32, #tpu.memory_space<vmem>>) target(%dma_start3A_188 : memref<10000x128xf32, #tpu.memory_space<vmem_shared>>) offsets(%dma_start3A_185 : memref<128xi32, #tpu.memory_space<vmem>>) semaphore(%arg17 : memref<!tpu.dma_semaphore, #tpu.memory_space<semaphore_mem>>) {add = true}
        %dma_wait3A_189 = arith.constant 0 : i32
        %dma_wait3A_190 = tpu.memref_slice %arg5[%dma_wait3A_189] : memref<320000xi32, #tpu.memory_space<hbm>> -> memref<256xi32, #tpu.memory_space<hbm>>
        %dma_wait3A_191 = arith.constant 0 : i32
        %dma_wait3A_192 = tpu.memref_slice %arg5[%dma_wait3A_191] : memref<320000xi32, #tpu.memory_space<hbm>> -> memref<256xi32, #tpu.memory_space<hbm>>
        tpu.wait_dma2 semaphore(%arg18 : memref<!tpu.dma_semaphore, #tpu.memory_space<semaphore_mem>>) src(%dma_wait3A_192 : memref<256xi32, #tpu.memory_space<hbm>>) dst(%arg14 : memref<256xi32, #tpu.memory_space<vmem>>)
      }
      %while3A_68 = arith.constant 1 : i32
      scf.for %while3A_109 = %while3A_66 to %while3A_62 step %while3A_68  : i32 {
        %and3A = arith.constant 1 : i32
        %and3A_110 = arith.andi %while3A_109, %and3A : i32
        %and3A_111 = arith.constant 3 : i32
        %and3A_112 = arith.andi %while3A_109, %and3A_111 : i32
        %add3A_113 = arith.constant 1 : i32
        %add3A_114 = arith.addi %while3A_109, %add3A_113 : i32
        %and3A_115 = arith.constant 3 : i32
        %and3A_116 = arith.andi %add3A_114, %and3A_115 : i32
        %add3A_117 = arith.constant 1 : i32
        %add3A_118 = arith.addi %while3A_109, %add3A_117 : i32
        %sub3A = arith.constant 1 : i32
        %sub3A_119 = arith.subi %add3A_25, %sub3A : i32
        %min3A_120 = arith.minsi %add3A_118, %sub3A_119 : i32
        %mul3A_121 = arith.constant 128 : i32
        %mul3A_122 = arith.muli %min3A_120, %mul3A_121 : i32
        %add3A_123 = arith.addi %mul3A_27, %mul3A_122 : i32
        %multiple_of3A_124 = tpu.assume_multiple %add3A_123, 128 : i32
        %dma_wait3A_125 = arith.constant 0 : i32
        %dma_wait3A_126 = arith.constant 0 : i32
        %dma_wait3A_127 = tpu.memref_slice %arg15[%and3A_110, %dma_wait3A_125, %dma_wait3A_126] : memref<2x128x128xf32, #tpu.memory_space<vmem>> -> memref<1x128x128xf32, #tpu.memory_space<vmem>>
        %dma_wait3A_128 = tpu.memref_squeeze %dma_wait3A_127 : memref<1x128x128xf32, #tpu.memory_space<vmem>> -> memref<128x128xf32, #tpu.memory_space<vmem>>
        %dma_wait3A_129 = arith.constant 0 : i32
        %dma_wait3A_130 = arith.constant 0 : i32
        %dma_wait3A_131 = tpu.memref_slice %arg7[%dma_wait3A_129, %dma_wait3A_130] : memref<10000x128xf32, #tpu.memory_space<hbm>> -> memref<128x128xf32, #tpu.memory_space<hbm>>
        %dma_wait3A_132 = arith.constant 0 : i32
        %dma_wait3A_133 = arith.constant 0 : i32
        %dma_wait3A_134 = tpu.memref_slice %arg15[%and3A_110, %dma_wait3A_132, %dma_wait3A_133] : memref<2x128x128xf32, #tpu.memory_space<vmem>> -> memref<1x128x128xf32, #tpu.memory_space<vmem>>
        %dma_wait3A_135 = tpu.memref_squeeze %dma_wait3A_134 : memref<1x128x128xf32, #tpu.memory_space<vmem>> -> memref<128x128xf32, #tpu.memory_space<vmem>>
        %dma_wait3A_136 = arith.constant 0 : i32
        %dma_wait3A_137 = arith.constant 0 : i32
        %dma_wait3A_138 = tpu.memref_slice %arg7[%dma_wait3A_136, %dma_wait3A_137] : memref<10000x128xf32, #tpu.memory_space<hbm>> -> memref<128x128xf32, #tpu.memory_space<hbm>>
        tpu.wait_dma2 semaphore(%arg17 : memref<!tpu.dma_semaphore, #tpu.memory_space<semaphore_mem>>) src(%dma_wait3A_138 : memref<128x128xf32, #tpu.memory_space<hbm>>) dst(%dma_wait3A_135 : memref<128x128xf32, #tpu.memory_space<vmem>>)
        %dma_start3A_139 = arith.constant 0 : i32
        %dma_start3A_140 = tpu.memref_slice %arg12[%and3A_116, %dma_start3A_139] : memref<4x128xi32, #tpu.memory_space<vmem>> -> memref<1x128xi32, #tpu.memory_space<vmem>>
        %dma_start3A_141 = tpu.memref_squeeze %dma_start3A_140 : memref<1x128xi32, #tpu.memory_space<vmem>> -> memref<128xi32, #tpu.memory_space<vmem>>
        %dma_start3A_142 = tpu.memref_slice %arg5[%multiple_of3A_124] : memref<320000xi32, #tpu.memory_space<hbm>> -> memref<128xi32, #tpu.memory_space<hbm>>
        %dma_start3A_143 = arith.constant 0 : i32
        %dma_start3A_144 = tpu.memref_slice %arg12[%and3A_116, %dma_start3A_143] : memref<4x128xi32, #tpu.memory_space<vmem>> -> memref<1x128xi32, #tpu.memory_space<vmem>>
        %dma_start3A_145 = tpu.memref_squeeze %dma_start3A_144 : memref<1x128xi32, #tpu.memory_space<vmem>> -> memref<128xi32, #tpu.memory_space<vmem>>
        %dma_start3A_146 = tpu.memref_slice %arg5[%multiple_of3A_124] : memref<320000xi32, #tpu.memory_space<hbm>> -> memref<128xi32, #tpu.memory_space<hbm>>
        tpu.enqueue_dma source(%dma_start3A_146 : memref<128xi32, #tpu.memory_space<hbm>>) target(%dma_start3A_145 : memref<128xi32, #tpu.memory_space<vmem>>) target_semaphore(%arg18 : memref<!tpu.dma_semaphore, #tpu.memory_space<semaphore_mem>>)
        %dma_start3A_147 = arith.constant 0 : i32
        %dma_start3A_148 = tpu.memref_slice %arg13[%and3A_116, %dma_start3A_147] : memref<4x128xi32, #tpu.memory_space<vmem>> -> memref<1x128xi32, #tpu.memory_space<vmem>>
        %dma_start3A_149 = tpu.memref_squeeze %dma_start3A_148 : memref<1x128xi32, #tpu.memory_space<vmem>> -> memref<128xi32, #tpu.memory_space<vmem>>
        %dma_start3A_150 = tpu.memref_slice %arg6[%multiple_of3A_124] : memref<320000xi32, #tpu.memory_space<hbm>> -> memref<128xi32, #tpu.memory_space<hbm>>
        %dma_start3A_151 = arith.constant 0 : i32
        %dma_start3A_152 = tpu.memref_slice %arg13[%and3A_116, %dma_start3A_151] : memref<4x128xi32, #tpu.memory_space<vmem>> -> memref<1x128xi32, #tpu.memory_space<vmem>>
        %dma_start3A_153 = tpu.memref_squeeze %dma_start3A_152 : memref<1x128xi32, #tpu.memory_space<vmem>> -> memref<128xi32, #tpu.memory_space<vmem>>
        %dma_start3A_154 = tpu.memref_slice %arg6[%multiple_of3A_124] : memref<320000xi32, #tpu.memory_space<hbm>> -> memref<128xi32, #tpu.memory_space<hbm>>
        tpu.enqueue_dma source(%dma_start3A_154 : memref<128xi32, #tpu.memory_space<hbm>>) target(%dma_start3A_153 : memref<128xi32, #tpu.memory_space<vmem>>) target_semaphore(%arg18 : memref<!tpu.dma_semaphore, #tpu.memory_space<semaphore_mem>>)
        %dma_start3A_155 = arith.constant 0 : i32
        %dma_start3A_156 = arith.constant 0 : i32
        %dma_start3A_157 = tpu.memref_slice %arg15[%and3A_110, %dma_start3A_155, %dma_start3A_156] : memref<2x128x128xf32, #tpu.memory_space<vmem>> -> memref<1x128x128xf32, #tpu.memory_space<vmem>>
        %dma_start3A_158 = tpu.memref_squeeze %dma_start3A_157 : memref<1x128x128xf32, #tpu.memory_space<vmem>> -> memref<128x128xf32, #tpu.memory_space<vmem>>
        %dma_start3A_159 = arith.constant 0 : i32
        %dma_start3A_160 = tpu.memref_slice %arg12[%and3A_112, %dma_start3A_159] : memref<4x128xi32, #tpu.memory_space<vmem>> -> memref<1x128xi32, #tpu.memory_space<vmem>>
        %dma_start3A_161 = tpu.memref_squeeze %dma_start3A_160 : memref<1x128xi32, #tpu.memory_space<vmem>> -> memref<128xi32, #tpu.memory_space<vmem>>
        %dma_start3A_162 = arith.constant 0 : i32
        %dma_start3A_163 = arith.constant 0 : i32
        %dma_start3A_164 = tpu.memref_slice %arg7[%dma_start3A_162, %dma_start3A_163] : memref<10000x128xf32, #tpu.memory_space<hbm>> -> memref<10000x128xf32, #tpu.memory_space<hbm>>
        tpu.enqueue_indirect_dma source(%dma_start3A_164 : memref<10000x128xf32, #tpu.memory_space<hbm>>) target(%dma_start3A_158 : memref<128x128xf32, #tpu.memory_space<vmem>>) offsets(%dma_start3A_161 : memref<128xi32, #tpu.memory_space<vmem>>) semaphore(%arg16 : memref<!tpu.dma_semaphore, #tpu.memory_space<semaphore_mem>>)
        %dma_wait3A_165 = arith.constant 0 : i32
        %dma_wait3A_166 = arith.constant 0 : i32
        %dma_wait3A_167 = tpu.memref_slice %arg15[%and3A_110, %dma_wait3A_165, %dma_wait3A_166] : memref<2x128x128xf32, #tpu.memory_space<vmem>> -> memref<1x128x128xf32, #tpu.memory_space<vmem>>
        %dma_wait3A_168 = tpu.memref_squeeze %dma_wait3A_167 : memref<1x128x128xf32, #tpu.memory_space<vmem>> -> memref<128x128xf32, #tpu.memory_space<vmem>>
        %dma_wait3A_169 = arith.constant 0 : i32
        %dma_wait3A_170 = arith.constant 0 : i32
        %dma_wait3A_171 = tpu.memref_slice %arg7[%dma_wait3A_169, %dma_wait3A_170] : memref<10000x128xf32, #tpu.memory_space<hbm>> -> memref<128x128xf32, #tpu.memory_space<hbm>>
        %dma_wait3A_172 = arith.constant 0 : i32
        %dma_wait3A_173 = arith.constant 0 : i32
        %dma_wait3A_174 = tpu.memref_slice %arg15[%and3A_110, %dma_wait3A_172, %dma_wait3A_173] : memref<2x128x128xf32, #tpu.memory_space<vmem>> -> memref<1x128x128xf32, #tpu.memory_space<vmem>>
        %dma_wait3A_175 = tpu.memref_squeeze %dma_wait3A_174 : memref<1x128x128xf32, #tpu.memory_space<vmem>> -> memref<128x128xf32, #tpu.memory_space<vmem>>
        %dma_wait3A_176 = arith.constant 0 : i32
        %dma_wait3A_177 = arith.constant 0 : i32
        %dma_wait3A_178 = tpu.memref_slice %arg7[%dma_wait3A_176, %dma_wait3A_177] : memref<10000x128xf32, #tpu.memory_space<hbm>> -> memref<128x128xf32, #tpu.memory_space<hbm>>
        tpu.wait_dma2 semaphore(%arg16 : memref<!tpu.dma_semaphore, #tpu.memory_space<semaphore_mem>>) src(%dma_wait3A_178 : memref<128x128xf32, #tpu.memory_space<hbm>>) dst(%dma_wait3A_175 : memref<128x128xf32, #tpu.memory_space<vmem>>)
        %dma_start3A_179 = arith.constant 0 : i32
        %dma_start3A_180 = arith.constant 0 : i32
        %dma_start3A_181 = tpu.memref_slice %arg15[%and3A_110, %dma_start3A_179, %dma_start3A_180] : memref<2x128x128xf32, #tpu.memory_space<vmem>> -> memref<1x128x128xf32, #tpu.memory_space<vmem>>
        %dma_start3A_182 = tpu.memref_squeeze %dma_start3A_181 : memref<1x128x128xf32, #tpu.memory_space<vmem>> -> memref<128x128xf32, #tpu.memory_space<vmem>>
        %dma_start3A_183 = arith.constant 0 : i32
        %dma_start3A_184 = tpu.memref_slice %arg13[%and3A_112, %dma_start3A_183] : memref<4x128xi32, #tpu.memory_space<vmem>> -> memref<1x128xi32, #tpu.memory_space<vmem>>
        %dma_start3A_185 = tpu.memref_squeeze %dma_start3A_184 : memref<1x128xi32, #tpu.memory_space<vmem>> -> memref<128xi32, #tpu.memory_space<vmem>>
        %dma_start3A_186 = arith.constant 0 : i32
        %dma_start3A_187 = arith.constant 0 : i32
        %dma_start3A_188 = tpu.memref_slice %arg11[%dma_start3A_186, %dma_start3A_187] : memref<10000x128xf32, #tpu.memory_space<vmem_shared>> -> memref<10000x128xf32, #tpu.memory_space<vmem_shared>>
        tpu.enqueue_indirect_dma source(%dma_start3A_182 : memref<128x128xf32, #tpu.memory_space<vmem>>) target(%dma_start3A_188 : memref<10000x128xf32, #tpu.memory_space<vmem_shared>>) offsets(%dma_start3A_185 : memref<128xi32, #tpu.memory_space<vmem>>) semaphore(%arg17 : memref<!tpu.dma_semaphore, #tpu.memory_space<semaphore_mem>>) {add = true}
        %dma_wait3A_189 = arith.constant 0 : i32
        %dma_wait3A_190 = tpu.memref_slice %arg5[%dma_wait3A_189] : memref<320000xi32, #tpu.memory_space<hbm>> -> memref<256xi32, #tpu.memory_space<hbm>>
        %dma_wait3A_191 = arith.constant 0 : i32
        %dma_wait3A_192 = tpu.memref_slice %arg5[%dma_wait3A_191] : memref<320000xi32, #tpu.memory_space<hbm>> -> memref<256xi32, #tpu.memory_space<hbm>>
        tpu.wait_dma2 semaphore(%arg18 : memref<!tpu.dma_semaphore, #tpu.memory_space<semaphore_mem>>) src(%dma_wait3A_192 : memref<256xi32, #tpu.memory_space<hbm>>) dst(%arg14 : memref<256xi32, #tpu.memory_space<vmem>>)
      }
      %dma_wait3A = arith.constant 0 : i32
      %dma_wait3A_69 = arith.constant 0 : i32
      %dma_wait3A_70 = arith.constant 0 : i32
      %dma_wait3A_71 = tpu.memref_slice %arg15[%dma_wait3A, %dma_wait3A_69, %dma_wait3A_70] : memref<2x128x128xf32, #tpu.memory_space<vmem>> -> memref<1x128x128xf32, #tpu.memory_space<vmem>>
      %dma_wait3A_72 = tpu.memref_squeeze %dma_wait3A_71 : memref<1x128x128xf32, #tpu.memory_space<vmem>> -> memref<128x128xf32, #tpu.memory_space<vmem>>
      %dma_wait3A_73 = arith.constant 0 : i32
      %dma_wait3A_74 = arith.constant 0 : i32
      %dma_wait3A_75 = tpu.memref_slice %arg7[%dma_wait3A_73, %dma_wait3A_74] : memref<10000x128xf32, #tpu.memory_space<hbm>> -> memref<128x128xf32, #tpu.memory_space<hbm>>
      %dma_wait3A_76 = arith.constant 0 : i32
      %dma_wait3A_77 = arith.constant 0 : i32
      %dma_wait3A_78 = tpu.memref_slice %arg15[%dma_wait3A, %dma_wait3A_76, %dma_wait3A_77] : memref<2x128x128xf32, #tpu.memory_space<vmem>> -> memref<1x128x128xf32, #tpu.memory_space<vmem>>
      %dma_wait3A_79 = tpu.memref_squeeze %dma_wait3A_78 : memref<1x128x128xf32, #tpu.memory_space<vmem>> -> memref<128x128xf32, #tpu.memory_space<vmem>>
      %dma_wait3A_80 = arith.constant 0 : i32
      %dma_wait3A_81 = arith.constant 0 : i32
      %dma_wait3A_82 = tpu.memref_slice %arg7[%dma_wait3A_80, %dma_wait3A_81] : memref<10000x128xf32, #tpu.memory_space<hbm>> -> memref<128x128xf32, #tpu.memory_space<hbm>>
      tpu.wait_dma2 semaphore(%arg17 : memref<!tpu.dma_semaphore, #tpu.memory_space<semaphore_mem>>) src(%dma_wait3A_82 : memref<128x128xf32, #tpu.memory_space<hbm>>) dst(%dma_wait3A_79 : memref<128x128xf32, #tpu.memory_space<vmem>>)
      %dma_wait3A_83 = arith.constant 0 : i32
      %dma_wait3A_84 = arith.constant 0 : i32
      %dma_wait3A_85 = arith.constant 0 : i32
      %dma_wait3A_86 = tpu.memref_slice %arg15[%dma_wait3A_83, %dma_wait3A_84, %dma_wait3A_85] : memref<2x128x128xf32, #tpu.memory_space<vmem>> -> memref<1x128x128xf32, #tpu.memory_space<vmem>>
      %dma_wait3A_87 = tpu.memref_squeeze %dma_wait3A_86 : memref<1x128x128xf32, #tpu.memory_space<vmem>> -> memref<128x128xf32, #tpu.memory_space<vmem>>
      %dma_wait3A_88 = arith.constant 0 : i32
      %dma_wait3A_89 = arith.constant 0 : i32
      %dma_wait3A_90 = tpu.memref_slice %arg7[%dma_wait3A_88, %dma_wait3A_89] : memref<10000x128xf32, #tpu.memory_space<hbm>> -> memref<128x128xf32, #tpu.memory_space<hbm>>
      %dma_wait3A_91 = arith.constant 0 : i32
      %dma_wait3A_92 = arith.constant 0 : i32
      %dma_wait3A_93 = tpu.memref_slice %arg15[%dma_wait3A_83, %dma_wait3A_91, %dma_wait3A_92] : memref<2x128x128xf32, #tpu.memory_space<vmem>> -> memref<1x128x128xf32, #tpu.memory_space<vmem>>
      %dma_wait3A_94 = tpu.memref_squeeze %dma_wait3A_93 : memref<1x128x128xf32, #tpu.memory_space<vmem>> -> memref<128x128xf32, #tpu.memory_space<vmem>>
      %dma_wait3A_95 = arith.constant 0 : i32
      %dma_wait3A_96 = arith.constant 0 : i32
      %dma_wait3A_97 = tpu.memref_slice %arg7[%dma_wait3A_95, %dma_wait3A_96] : memref<10000x128xf32, #tpu.memory_space<hbm>> -> memref<128x128xf32, #tpu.memory_space<hbm>>
      tpu.wait_dma2 semaphore(%arg17 : memref<!tpu.dma_semaphore, #tpu.memory_space<semaphore_mem>>) src(%dma_wait3A_97 : memref<128x128xf32, #tpu.memory_space<hbm>>) dst(%dma_wait3A_94 : memref<128x128xf32, #tpu.memory_space<vmem>>)
      %barrier3A_98 = arith.constant 0 : index
      tpu.barrier barrier_id(%barrier3A_98)
      %lt3A_99 = arith.constant 15 : i32
      %lt3A_100 = arith.cmpi slt, %arg1, %lt3A_99 : i32
      %convert_element_type3A_101 = arith.extui %lt3A_100 : i1 to i32
      %cond3A_102 = arith.constant 0 : i32
      %cond3A_103 = arith.cmpi ne, %convert_element_type3A_101, %cond3A_102 : i32
      scf.if %cond3A_103 {
        "tpu.region"() ({
          %run_scoped3A_109 = tpu.sem_alloc : memref<!tpu.dma_semaphore, #tpu.memory_space<semaphore_mem>>
          %dma_start3A_110 = arith.constant 0 : i32
          %dma_start3A_111 = tpu.memref_slice %arg10[%multiple_of3A, %dma_start3A_110] : memref<10000x128xf32, #tpu.memory_space<hbm>> -> memref<632x128xf32, #tpu.memory_space<hbm>>
          %dma_start3A_112 = arith.constant 0 : i32
          %dma_start3A_113 = tpu.memref_slice %arg11[%multiple_of3A, %dma_start3A_112] : memref<10000x128xf32, #tpu.memory_space<vmem_shared>> -> memref<632x128xf32, #tpu.memory_space<vmem_shared>>
          tpu.enqueue_dma source(%dma_start3A_113 : memref<632x128xf32, #tpu.memory_space<vmem_shared>>) target(%dma_start3A_111 : memref<632x128xf32, #tpu.memory_space<hbm>>) target_semaphore(%run_scoped3A_109 : memref<!tpu.dma_semaphore, #tpu.memory_space<semaphore_mem>>)
          %dma_wait3A_114 = arith.constant 0 : i32
          %dma_wait3A_115 = tpu.memref_slice %arg10[%multiple_of3A, %dma_wait3A_114] : memref<10000x128xf32, #tpu.memory_space<hbm>> -> memref<632x128xf32, #tpu.memory_space<hbm>>
          %dma_wait3A_116 = arith.constant 0 : i32
          %dma_wait3A_117 = tpu.memref_slice %arg11[%multiple_of3A, %dma_wait3A_116] : memref<10000x128xf32, #tpu.memory_space<vmem_shared>> -> memref<632x128xf32, #tpu.memory_space<vmem_shared>>
          tpu.wait_dma2 semaphore(%run_scoped3A_109 : memref<!tpu.dma_semaphore, #tpu.memory_space<semaphore_mem>>) src(%dma_wait3A_117 : memref<632x128xf32, #tpu.memory_space<vmem_shared>>) dst(%dma_wait3A_115 : memref<632x128xf32, #tpu.memory_space<hbm>>)
          tpu.yield
        }) : () -> ()
      } else {
      }
      %eq3A_104 = arith.constant 15 : i32
      %eq3A_105 = arith.cmpi eq, %arg1, %eq3A_104 : i32
      %convert_element_type3A_106 = arith.extui %eq3A_105 : i1 to i32
      %cond3A_107 = arith.constant 0 : i32
      %cond3A_108 = arith.cmpi ne, %convert_element_type3A_106, %cond3A_107 : i32
      scf.if %cond3A_108 {
        "tpu.region"() ({
          %run_scoped3A_109 = tpu.sem_alloc : memref<!tpu.dma_semaphore, #tpu.memory_space<semaphore_mem>>
          %dma_start3A_110 = arith.constant 9480 : i32
          %dma_start3A_111 = arith.constant 0 : i32
          %dma_start3A_112 = tpu.memref_slice %arg10[%dma_start3A_110, %dma_start3A_111] : memref<10000x128xf32, #tpu.memory_space<hbm>> -> memref<520x128xf32, #tpu.memory_space<hbm>>
          %dma_start3A_113 = arith.constant 9480 : i32
          %dma_start3A_114 = arith.constant 0 : i32
          %dma_start3A_115 = tpu.memref_slice %arg11[%dma_start3A_113, %dma_start3A_114] : memref<10000x128xf32, #tpu.memory_space<vmem_shared>> -> memref<520x128xf32, #tpu.memory_space<vmem_shared>>
          tpu.enqueue_dma source(%dma_start3A_115 : memref<520x128xf32, #tpu.memory_space<vmem_shared>>) target(%dma_start3A_112 : memref<520x128xf32, #tpu.memory_space<hbm>>) target_semaphore(%run_scoped3A_109 : memref<!tpu.dma_semaphore, #tpu.memory_space<semaphore_mem>>)
          %dma_wait3A_116 = arith.constant 9480 : i32
          %dma_wait3A_117 = arith.constant 0 : i32
          %dma_wait3A_118 = tpu.memref_slice %arg10[%dma_wait3A_116, %dma_wait3A_117] : memref<10000x128xf32, #tpu.memory_space<hbm>> -> memref<520x128xf32, #tpu.memory_space<hbm>>
          %dma_wait3A_119 = arith.constant 9480 : i32
          %dma_wait3A_120 = arith.constant 0 : i32
          %dma_wait3A_121 = tpu.memref_slice %arg11[%dma_wait3A_119, %dma_wait3A_120] : memref<10000x128xf32, #tpu.memory_space<vmem_shared>> -> memref<520x128xf32, #tpu.memory_space<vmem_shared>>
          tpu.wait_dma2 semaphore(%run_scoped3A_109 : memref<!tpu.dma_semaphore, #tpu.memory_space<semaphore_mem>>) src(%dma_wait3A_121 : memref<520x128xf32, #tpu.memory_space<vmem_shared>>) dst(%dma_wait3A_118 : memref<520x128xf32, #tpu.memory_space<hbm>>)
          tpu.yield
        }) : () -> ()
      } else {
      }
    } else {
    }
    return
  }
}

</mosaic_0001>

<sc_bundles>
// kernel: _spmm_pair.3.cloned.1.call-start
scs
__scs_entry_jumppad:
0x0: {  	(pc) =	sbr.rel $0x88, $3  }
0x1: {  	(tag) =	ssettag $0x0;
	lr =	simm.s32 $0x1  }
0x2: {  	[smem:$0x3F9A] =	sst lr;
	_ =	strace $0xD0000000  }
0x3: {  	_ = 	snop  }
0x4: {  	_ = 	snop  }
0x5: {  	_ = 	snop  }
0x6: {  	_ = 	snop  }
0x7: {  	_ = 	snop  }
__scs_overlays_trampoline_lowered:
0x8: {  	[smem:$0x3FA9] =	sst s0  }
0x9: {  	[smem:$0x3FAA] =	sst s1  }
0xa: {  	[smem:$0x3FAB] =	sst s2  }
0xb: {  	[smem:$0x3FAC] =	sst s3  }
0xc: {  	[smem:$0x3FAD] =	sst s4  }
0xd: {  	[smem:$0x3FAE] =	sst s5  }
0xe: {  	[smem:$0x3FAF] =	sst s6  }
0xf: {  	[smem:$0x3FB0] =	sst s7  }
0x10: {  	[smem:$0x3FB1] =	sst s8  }
0x11: {  	[smem:$0x3FB2] =	sst s9;
	s0 =	simm.s32 @!p0 $0x0  }
0x12: {  	s1 =	sld [smem:$0x3F98];
	s0 =	simm.s32 @p0 $0x1  }
0x13: {  	[smem:$0x3FB3] =	sst s0;
	s0 =	simm.s32 @!p1 $0x0  }
0x14: {  	s2 =	sld [smem:$0x3F97];
	s0 =	simm.s32 @p1 $0x1  }
0x15: {  	[smem:$0x3FB4] =	sst s0;
	s0 =	simm.s32 @!p2 $0x0  }
0x16: {  	s3 =	sld [smem:$0x3FDB];
	s0 =	simm.s32 @p2 $0x1  }
0x17: {  	s4 =	simm.s32 $0x1BF5;
	[smem:$0x3FB6] =	sst s0  }
0x18: {  	s0 =	sld [smem:$0x3F99];
	_ =	swait.ge [sflag:s4], $0x0  }
0x19: {  	s7 =	sld [smem:$0x3F9A]  }
0x1a: {  	s8 =	sadd.s32 $0xFFFFE003, lr  }
0x1b: {  	s9 =	sadd.s32 $0xFFFFFEF7, lr;
	s5 =	simm.s32 $0xFFFFFFFF;
	p2 =	slt.u32 s8, $0xFFFFF086  }
0x1c: {  	p1 =	slt.u32 s9, $0xF7A;
	s5 =	simm.s32 @!p2 $0x0  }
0x1d: {  	s5 =	simm.s32 @p1 $0x1;
	p0 =	seq.s32 s7, s2  }
0x1e: {  	s7 =	smul.u32 @!p0 $0xF7A, s2;
	p2 =	seq.s32 @!p0 s5, $0x0  }
0x1f: {  	s9 =	smul.u32 $0xF7A, s1;
	s8 =	simm.s32 @!p0 $0x1BF5;
	p2 =	por !p2, p0  }
0x20: {  	[sflag:s8] =	ssyncset.s32 @!p0 $0xFFFFF086;
	s6 =	sadd.s32 @!p0 s3, s7;
	s7 =	simm.s32 @!p0 $0x108  }
0x21: {  	s3 =	sadd.s32 s3, s9;
	s6 =	sadd.s32 @!p0 $0x88, s6;
	s7 =	simm.s32 @p2 $0x1082  }
0x22: {  	[simem:s7], [sflag:s8] =	dma.local @!p0 [hbm:s6], $0xF7A  }
0x23: {  	s9 =	sor.u32 $0xD0000000, s2;
	s6 =	simm.s32 $0x108;
	_ =	swait.ge @!p0 [sflag:s8], $0x0  }
0x24: {  	s3 =	sadd.s32 $0x88, s3;
	s6 =	simm.s32 @!p1 $0x1082;
	[sflag:s4] =	ssyncset.s32 $0xFFFFF086  }
0x25: {  	[simem:s6], [sflag:s4] =	dma.local [hbm:s3], $0xF7A  }
0x26: {  	[smem:$0x3F9A] =	sst s1;
	(tag) =	ssettag s2;
	_ =	strace s9  }
0x27: {  	s1 =	sld [smem:$0x3FAA]  }
0x28: {  	s2 =	sld [smem:$0x3FAB]  }
0x29: {  	s4 =	sld [smem:$0x3FAD]  }
0x2a: {  	p0 =	seq.s32 s5, $0x0;
	s5 =	sld [smem:$0x3FAE]  }
0x2b: {  	s6 =	sld [smem:$0x3FAF]  }
0x2c: {  	s7 =	sld [smem:$0x3FB0]  }
0x2d: {  	s3 =	simm.s32 $0x108;
	s8 =	sld [smem:$0x3FB1]  }
0x2e: {  	s3 =	simm.s32 @!p0 $0x1082;
	s9 =	sld [smem:$0x3FB2]  }
0x2f: {  	lr =	sadd.s32 s0, s3;
	s0 =	sld [smem:$0x3FA9]  }
0x30: {  	s3 =	sld [smem:$0x3FAC]  }
0x31: {  	[smem:$0x3FB5] =	sst s10  }
0x32: {  	s10 =	sld [smem:$0x3FB3];
	_ =	sdelay $0x3  }
0x33: {  	p0 =	seq.s32 s10, $0x1;
	s10 =	sld [smem:$0x3FB5];
	_ =	sdelay $0x3  }
0x34: {  	[smem:$0x3FB5] =	sst s10  }
0x35: {  	s10 =	sld [smem:$0x3FB4];
	_ =	sdelay $0x3  }
0x36: {  	p1 =	seq.s32 s10, $0x1;
	s10 =	sld [smem:$0x3FB5];
	_ =	sdelay $0x3  }
0x37: {  	[smem:$0x3FB5] =	sst s10  }
0x38: {  	s10 =	sld [smem:$0x3FB6]  }
0x39: {  	_ = 	snop;
	(pc) =	sbr.ind lr, $3  }
0x3a: {  	_ = 	snop  }
0x3b: {  	_ = 	snop  }
0x3c: {  	p2 =	seq.s32 s10, $0x1;
	s10 =	sld [smem:$0x3FB5]  }
0x3d: {  	_ =	shalt  }
0x3e: {  	_ =	shalt  }
0x3f: {  	_ =	shalt  }
0x40: {  	_ =	shalt  }
0x41: {  	_ =	shalt  }
0x42: {  	_ =	shalt  }
0x43: {  	_ =	shalt  }
0x44: {  	_ =	shalt  }
0x45: {  	_ =	shalt  }
0x46: {  	_ =	shalt  }
0x47: {  	_ =	shalt  }
0x48: {  	_ =	shalt  }
0x49: {  	_ =	shalt  }
0x4a: {  	_ =	shalt  }
0x4b: {  	_ =	shalt  }
0x4c: {  	_ =	shalt  }
0x4d: {  	_ =	shalt  }
0x4e: {  	_ =	shalt  }
0x4f: {  	_ =	shalt  }
0x50: {  	_ =	shalt  }
0x51: {  	_ =	shalt  }
0x52: {  	_ =	shalt  }
0x53: {  	_ =	shalt  }
0x54: {  	_ =	shalt  }
0x55: {  	_ =	shalt  }
0x56: {  	_ =	shalt  }
0x57: {  	_ =	shalt  }
0x58: {  	_ =	shalt  }
0x59: {  	_ =	shalt  }
0x5a: {  	_ =	shalt  }
0x5b: {  	_ =	shalt  }
0x5c: {  	_ =	shalt  }
0x5d: {  	_ =	shalt  }
0x5e: {  	_ =	shalt  }
0x5f: {  	_ =	shalt  }
0x60: {  	_ =	shalt  }
0x61: {  	_ =	shalt  }
0x62: {  	_ =	shalt  }
0x63: {  	_ =	shalt  }
0x64: {  	_ =	shalt  }
0x65: {  	_ =	shalt  }
0x66: {  	_ =	shalt  }
0x67: {  	_ =	shalt  }
0x68: {  	_ =	shalt  }
0x69: {  	_ =	shalt  }
0x6a: {  	_ =	shalt  }
0x6b: {  	_ =	shalt  }
0x6c: {  	_ =	shalt  }
0x6d: {  	_ =	shalt  }
0x6e: {  	_ =	shalt  }
0x6f: {  	_ =	shalt  }
0x70: {  	_ =	shalt  }
0x71: {  	_ =	shalt  }
0x72: {  	_ =	shalt  }
0x73: {  	_ =	shalt  }
0x74: {  	_ =	shalt  }
0x75: {  	_ =	shalt  }
0x76: {  	_ =	shalt  }
0x77: {  	_ =	shalt  }
0x78: {  	_ =	shalt  }
0x79: {  	_ =	shalt  }
0x7a: {  	_ =	shalt  }
0x7b: {  	_ =	shalt  }
0x7c: {  	_ =	shalt  }
0x7d: {  	_ =	shalt  }
0x7e: {  	_ =	shalt  }
0x7f: {  	_ =	shalt  }
0x80: {  	_ =	shalt  }
0x81: {  	_ =	shalt  }
0x82: {  	_ =	shalt  }
0x83: {  	_ =	shalt  }
0x84: {  	_ =	shalt  }
0x85: {  	_ =	shalt  }
0x86: {  	_ =	shalt  }
0x87: {  	_ =	shalt  }
.Lfunc_end0:
.L_simem_size_0:
called_computation_lowered:
.L_overlay_start_0:
0x88: {  	s2 =	sld [smem:$0x3FD9]  }
0x89: {  	s3 =	sld [smem:$0x3FFE];
	_ =	sdelay $0x1  }
0x8a: {  	s1 =	srdreg.scid  }
0x8b: {  	s0 =	sand.u32 $0x1, s1  }
0x8c: {  	s15 =	sshll.u32 s0, $0xA;
	s2 =	sadd.s32 s3, s2  }
0x8d: {  	s2 =	sadd.s32 s2, s15  }
0x8e: {  	[smem:$0x3FC1] =	sst s2  }
0x8f: {  	_ = 	snop  }
0x90: {  	s2 =	sld [smem:$0x3FC9]  }
0x91: {  	s16 =	sld [smem:$0x3FC8]  }
0x92: {  	s4 =	sld [smem:$0x3FC7]  }
0x93: {  	s5 =	sld [smem:$0x3FC6]  }
0x94: {  	s6 =	sld [smem:$0x3FD0]  }
0x95: {  	s7 =	sld [smem:$0x3FC5]  }
0x96: {  	s8 =	sld [smem:$0x3FC4]  }
0x97: {  	s10 =	simm.s32 $0xA;
	s11 =	simm.s32 $0x10;
	s9 =	sld [smem:$0x3FC3]  }
0x98: {  	[smem:s11], [sflag:s10] =	dma.local [hbm:s6], $0x1  }
0x99: {  	_ =	swait.eq [sflag:s10], $0x1  }
0x9a: {  	[sflag:s10] =	ssyncset.done $0x0  }
0x9b: {  	s17 =	sld [smem:$0x10];
	[sflag:s10] =	ssyncadd.s32 $0xFFFFFFFF  }
0x9c: {  	s18 =	sld [smem:$0x11];
	(tm) =	ssettm $0x1  }
0x9d: {  	s19 =	sld [smem:$0x3FFB];
	_ =	sdelay $0x3  }
0x9e: {  	_ =	strace s19  }
0x9f: {  	s11 =	sld [smem:$0x3FFC];
	_ =	sdelay $0x3  }
0xa0: {  	_ =	strace s11  }
0xa1: {  	s11 =	sld [smem:$0x3FFD];
	_ =	sdelay $0x3  }
0xa2: {  	_ =	strace s11  }
0xa3: {  	_ =	strace $0x8FFFFFFF  }
0xa4: {  	s20 =	sld [smem:$0x3FDB];
	_ =	sdelay $0x1  }
0xa5: {  	s12 =	simm.s32 $_scs_section_size  }
0xa6: {  	s13 =	simm.s32 $_size__tile_overlayer_lowered;
	s14 =	simm.s32 $_tile_overlayer_lowered  }
0xa7: {  	s23 =	simm.s32 $0x1BFF;
	s22 =	sshll.u32 s14, $0x1;
	s11 =	sadd.s32 s12, s20  }
0xa8: {  	s21 =	sshll.u32 s13, $0x1;
	s15 =	simm.s32 $0x0;
	s13 =	sadd.s32 s22, s11  }
0xa9: {  	[timem:s15], [sflag:s23] =	dma.local [hbm:s13], s21  }
0xaa: {  	_ =	swait.ge [sflag:s23], s21  }
0xab: {  	s12 =	ssub.s32 $0x0, s21;
	[sflag:s23] =	ssyncset.done $0x0  }
0xac: {  	[sflag:s23] =	ssyncadd.s32 s12;
	_ =	sdelay $0x1  }
0xad: {  	s24 =	simm.s32 $0x1B8B  }
0xae: {  	_ =	swait.ge [sflag:s24], $0x1  }
0xaf: {  	[sflag:s24] =	ssyncset.done $0x0  }
0xb0: {  	s25 =	simm.s32 $0x1B8E;
	[sflag:s24] =	ssyncadd.s32 $0xFFFFFFFF  }
0xb1: {  	s26 =	simm.s32 $execute0_lowered;
	[smem:$0x3FD2] =	sst s25  }
0xb2: {  	s12 =	sshll.u32 s26, $0x1;
	_ =	strace $0x80000046;
	[dreg:$0x1] =	wrdreg $0xFFFFFFFF  }
0xb3: {  	s28 =	simm.s32 $_size_execute0_lowered;
	s11 =	sadd.s32 s11, s12;
	[dreg:$0x0] =	wrdreg $0x0  }
0xb4: {  	s12 =	sshll.u32 s28, $0x1;
	[dreg:$0x2] =	wrdreg s11  }
0xb5: {  	[dreg:$0x3] =	wrdreg s12  }
0xb6: {  	[dreg:$0x4] =	wrdreg $0xC0  }
0xb7: {  	_ =	task [dreg:s15], $0x5FFFF  }
0xb8: {  	[dreg:$0x1] =	wrdreg $0xFFFFFFFF  }
0xb9: {  	[dreg:$0x0] =	wrdreg $0x60  }
0xba: {  	[dreg:$0x2] =	wrdreg s2  }
0xbb: {  	[dreg:$0x3] =	wrdreg s16  }
0xbc: {  	[dreg:$0x4] =	wrdreg s4  }
0xbd: {  	[dreg:$0x5] =	wrdreg s5  }
0xbe: {  	[dreg:$0x6] =	wrdreg s7  }
0xbf: {  	[dreg:$0x7] =	wrdreg s8  }
0xc0: {  	[dreg:$0x8] =	wrdreg s9  }
0xc1: {  	[dreg:$0x9] =	wrdreg s17  }
0xc2: {  	[dreg:$0xa] =	wrdreg s18  }
0xc3: {  	[dreg:$0xb] =	wrdreg $0x0  }
0xc4: {  	[dreg:$0xc] =	wrdreg $0x9  }
0xc5: {  	_ =	task.clear_ibuf [dreg:s15], $0xDFFFF;
	_ =	strace $0x90000046  }
0xc6: {  	s29 =	simm.s32 $0x9;
	_ =	strace $0x80000048  }
0xc7: {  	_ =	swait.ge [sflag:s29], $0x1  }
0xc8: {  	[sflag:s29] =	ssyncadd.s32 $0xFFFFFFFF  }
0xc9: {  	_ =	strace $0x90000048  }
0xca: {  	_ =	sfence  }
0xcb: {  	s30 =	sld [smem:$0x0];
	_ =	sdelay $0x2  }
0xcc: {  	s31 =	sshll.u32 s1, $0xD;
	s1 =	sshrl.u32 s1, $0x2  }
0xcd: {  	s3 =	sand.u32 $0x4000, s31;
	s1 =	sadd.s32 s1, s30  }
0xce: {  	s0 =	sor.u32 s3, s0;
	s1 =	sshll.u32 s1, $0x11  }
0xcf: {  	s0 =	sor.u32 s1, s0  }
0xd0: {  	s0 =	sadd.s32 $0x8F2B, s0  }
0xd1: {  	[sflag:s0] =	ssyncadd.remote.s32 $0x1  }
0xd2: {  	_ =	sfence.sel $0xFFFF  }
0xd3: {  	[dreg:$0x0] =	wrdreg $0xFFFFFFFF;
	(pc) =	sbr.abs _section_cstart, $3  }
0xd4: {  	[dreg:$0x1] =	wrdreg $0xFFFFFFFF  }
0xd5: {  	_ =	task.clear_ibuf [dreg:s15], $0x2FFFF;
	_ =	strace $0x9FFFFFFF  }
0xd6: {  	(tm) =	ssettm $0x7FFFFFFF  }
0xd7: {  	_ =	shalt  }
tec
execute0_lowered:
.L_overlay_start_1:
0x0: {  	(tag) =	ssettag $0x1  }
0x1: {  	s0 =	rddreg [dreg:$0x0]  }
0x2: {  	s1 =	rddreg [dreg:$0x1]  }
0x3: {  	s2 =	rddreg [dreg:$0x2]  }
0x4: {  	s3 =	rddreg [dreg:$0x3]  }
0x5: {  	s5 =	rddreg [dreg:$0x4]  }
0x6: {  	s6 =	rddreg [dreg:$0x5]  }
0x7: {  	s4 =	rddreg [dreg:$0x6]  }
0x8: {  	s7 =	rddreg [dreg:$0x7]  }
0x9: {  	s10 =	rddreg [dreg:$0x8]  }
0xa: {  	s8 =	rddreg [dreg:$0x9];
	s11 =	srdreg.scid;
	s9 =	simm.s32 $0x0  }
0xb: {  	s15 =	stileid.u32;
	s28 =	simm.s32 $0x4;
	s31 =	simm.s32 $0x2  }
0xc: {  	s11 =	sand.u32 $0x1, s11;
	[smem:$0x7FF] =	sst s9;
	s13 =	smul.u32 $0x4F000, s15  }
0xd: {  	s17 =	smul.u32 $0x2780, s15;
	s19 =	sadd.s32 $0x128400, s8;
	s20 =	smin.u32 s15, $0x4  }
0xe: {  	p1 =	slt.u32 s15, $0x4;
	s29 =	sadd.s32 $0x25080, s10;
	s12 =	ssub.s32 $0x2, s11  }
0xf: {  	_ =	strace $0x80000047;
	p0 =	seq.s32 s11, $0x1;
	[dreg:$0xd] =	wrdreg s19  }
0x10: {  	[dreg:$0x16] =	wrdreg s29;
	s14 =	sshrl.u32 s12, $0x1;
	s18 =	sadd.s32 s4, s17  }
0x11: {  	s30 =	sshrl.u32 s13, $0x2;
	s4 =	sadd.s32 $0x25080, s4;
	[dreg:$0xc] =	wrdreg s18  }
0x12: {  	s24 =	sadd.s32 s7, s17;
	s7 =	sadd.s32 $0x25080, s7;
	[dreg:$0xe] =	wrdreg s4  }
0x13: {  	s26 =	sadd.s32 s10, s17;
	s17 =	simm.s32 $0x0;
	[dreg:$0x11] =	wrdreg s24  }
0x14: {  	s16 =	ssub.s32 s12, s14;
	s14 =	smul.u32 $0x9C, s15;
	[dreg:$0x12] =	wrdreg s7  }
0x15: {  	s13 =	sadd.s32 s30, s8;
	s18 =	simm.s32 $0x9C;
	[dreg:$0x15] =	wrdreg s26  }
0x16: {  	s26 =	simm.s32 $0x3;
	[dreg:$0xb] =	wrdreg s13;
	s13 =	sadd.s32 s20, s14  }
0x17: {  	s18 =	simm.s32 @!p1 $0x9B;
	s30 =	smax.u32 s16, $0x1;
	s21 =	sshll.u32 s13, $0x4  }
.Ltmp0:
0x18: {  	[dreg:$0x17] =	wrdreg s30;
	s22 =	sadd.s32 s0, s21;
	(pc) =	sbr.rel .LBB2_1-.Ltmp0, $4  }
0x19: {  	s16 =	simm.s32 $0x1;
	s23 =	sadd.s32 s1, s21;
	[dreg:$0xf] =	wrdreg s22  }
0x1a: {  	s14 =	simm.s32 $0x274000;
	s25 =	sadd.s32 s3, s21;
	[dreg:$0x10] =	wrdreg s23  }
0x1b: {  	s14 =	simm.s32 @!p1 $0x270000;
	s4 =	sadd.s32 s5, s21;
	[dreg:$0x13] =	wrdreg s25  }
0x1c: {  	p1 =	seq.s32 s15, $0xF;
	[dreg:$0x14] =	wrdreg s4;
	s4 =	simm.s32 $0x80  }
.LBB2_10:
0x1d: {  	s11 =	simm.s32 $0x4000;
	s23 =	simm.s32 @p1 $0x1FC4  }
.LBB2_13:
0x1e: {  	p3 =	slt.s32 s7, s18;
	[sflag:s26] =	ssyncset.done @p2 $0x0;
	s10 =	smov.u32 s18  }
0x1f: {  	s10 =	smov.u32 @p3 s7;
	[sflag:s26] =	ssyncadd.s32 @p2 $0xFFFFFF00  }
0x20: {  	_ =	swait.ge [sflag:s31], $0x4000;
	s7 =	sadd.s32 s13, s10  }
0x21: {  	s30 =	sand.u32 $0x180, s24;
	[sflag:s31] =	ssyncset.done $0x0;
	s7 =	sshll.u32 s7, $0x4  }
0x22: {  	s12 =	sadd.s32 $0x13880, s30;
	[sflag:s31] =	ssyncadd.s32 $0xFFFFC000;
	s15 =	sadd.s32 s3, s7  }
0x23: {  	[tilespmem:s12], [sflag:$0x3] =	stream.linear.gather [hbm4b:s15+s9], $0x80, $0x38;
	[tilespmem:$0x1BC80] =	vst v63  }
0x24: {  	s10 =	sadd.s32 $0x13A80, s30;
	s15 =	sadd.s32 $0xFFFFFF80, s24  }
0x25: {  	s7 =	sadd.s32 s5, s7;
	s24 =	sand.u32 $0x4000, s11;
	s25 =	sand.u32 $0x180, s15  }
0x26: {  	[tilespmem:s10], [sflag:$0x3] =	stream.linear.gather [hbm4b:s7+s9], $0x80, $0x38;
	[tilespmem:$0x1BC80] =	vst v63  }
0x27: {  	s7 =	sor.u32 $0x13C80, s24;
	s30 =	sadd.s32 $0x13880, s25  }
0x28: {  	[tilespmem:s7], [sflag:$0x1] =	stream.indirect.gather [hbm4b:s6+s4], $0x80, s30, s4, $0xb8;
	[tilespmem:$0x1BC80] =	vst v63  }
0x29: {  	_ =	swait.ge [sflag:s16], $0x4000  }
0x2a: {  	[sflag:s16] =	ssyncset.done $0x0  }
0x2b: {  	s10 =	sadd.s32 $0x13A80, s25;
	[sflag:s16] =	ssyncadd.s32 $0xFFFFC000  }
0x2c: {  	[spmem:s8] =	stream.indirect.scatter.add.f32 [tilespmem:s7], [sflag:$0x2], $0x80, s10, s4, $0xb8;
	[tilespmem:$0x1BC80] =	vst v63  }
0x2d: {  	_ =	swait.ge [sflag:s26], $0x100  }
0x2e: {  	[sflag:s26] =	ssyncset.done $0x0  }
0x2f: {  	[sflag:s26] =	ssyncadd.s32 $0xFFFFFF00  }
0x30: {  	_ =	swait.ge [sflag:s31], $0x4000  }
0x31: {  	[sflag:s31] =	ssyncset.done $0x0  }
0x32: {  	[sflag:s31] =	ssyncadd.s32 $0xFFFFC000  }
0x33: {  	_ =	swait.ge [sflag:s31], $0x4000  }
0x34: {  	[sflag:s31] =	ssyncset.done $0x0  }
0x35: {  	[sflag:s31] =	ssyncadd.s32 $0xFFFFC000  }
0x36: {  	[bflag:$0x0] =	sbarrier.arrive $0xFFFF  }
0x37: {  	s7 =	rddreg [dreg:$0x16]  }
0x38: {  	[hbm:s7], [sflag:s23] =	dma.local @p1 [spmem:s20], $0x2080  }
0x39: {  	_ =	swait.ge @p1 [sflag:s21], $0x2080  }
0x3a: {  	[sflag:s21] =	ssyncset.done @p1 $0x0  }
0x3b: {  	s7 =	rddreg [dreg:$0x15];
	[sflag:s21] =	ssyncadd.s32 @p1 $0xFFFFDF80  }
0x3c: {  	[hbm:s7], [sflag:s19] =	dma.local @!p1 [spmem:s29], $0x2780  }
0x3d: {  	_ =	swait.ge @!p1 [sflag:s22], $0x2780  }
0x3e: {  	[sflag:s22] =	ssyncset.done @!p1 $0x0  }
0x3f: {  	[sflag:s22] =	ssyncadd.s32 @!p1 $0xFFFFD880  }
.LBB2_14:
0x40: {  	s17 =	sadd.s32 $0x1, s17;
	s7 =	rddreg [dreg:$0x17]  }
0x41: {  	p2 =	sne.s32 s17, s7  }
.Ltmp1:
0x42: {  	_ = 	snop;
	(pc) =	sbr.rel @!p2 .LBB2_15-.Ltmp1, $1  }
0x43: {  	_ =	sdelay $0x3  }
.LBB2_1:
.Ltmp2:
0x44: {  	(pc) =	sbr.rel @!p0 .LBB2_2-.Ltmp2, $4  }
0x45: {  	_ = 	snop  }
0x46: {  	s7 =	stileid.u32;
	s10 =	rddreg [dreg:$0xd]  }
0x47: {  	s7 =	sshll.u32 @!p1 s7, $0x6;
	s20 =	sshrl.u32 @p1 s10, $0x3;
	s10 =	rddreg [dreg:$0xb]  }
0x48: {  	s29 =	sshrl.u32 @!p1 s10, $0x3;
	s19 =	sor.u32 @!p1 $0x1C04, s7  }
0x49: {  	s23 =	simm.s32 @p1 $0x1FC4;
	s7 =	rddreg [dreg:$0xe];
	s21 =	simm.s32 @p1 $0x4  }
0x4a: {  	[spmem:s20], [sflag:s23] =	dma.local @p1 [hbm:s7], $0x2080  }
0x4b: {  	_ =	swait.ge @p1 [sflag:s21], $0x2080  }
0x4c: {  	[sflag:s21] =	ssyncset.done @p1 $0x0  }
0x4d: {  	s22 =	simm.s32 @!p1 $0x4;
	s7 =	rddreg [dreg:$0xc];
	[sflag:s21] =	ssyncadd.s32 @p1 $0xFFFFDF80  }
0x4e: {  	[spmem:s29], [sflag:s19] =	dma.local @!p1 [hbm:s7], $0x2780  }
0x4f: {  	_ =	swait.ge @!p1 [sflag:s22], $0x2780  }
0x50: {  	[sflag:s22] =	ssyncset.done @!p1 $0x0  }
0x51: {  	[sflag:s22] =	ssyncadd.s32 @!p1 $0xFFFFD880  }
0x52: {  	[bflag:$0x0] =	sbarrier.arrive $0xFFFF  }
0x53: {  	s11 =	simm.s32 $0x0;
	s10 =	simm.s32 $0x13880;
	s15 =	rddreg [dreg:$0x13]  }
0x54: {  	[tilespmem:s10], [sflag:$0x4] =	stream.linear.gather [hbm4b:s15+s11], $0x80, $0x38;
	[tilespmem:$0x1BC80] =	vst v63  }
0x55: {  	_ =	swait.ge [sflag:s28], $0x80  }
0x56: {  	[sflag:s28] =	ssyncset.done $0x0  }
0x57: {  	s25 =	simm.s32 $0x13A80;
	s24 =	rddreg [dreg:$0x14];
	[sflag:s28] =	ssyncadd.s32 $0xFFFFFF80  }
0x58: {  	[tilespmem:s25], [sflag:$0x4] =	stream.linear.gather [hbm4b:s24+s11], $0x80, $0x38;
	[tilespmem:$0x1BC80] =	vst v63  }
0x59: {  	p3 =	sne.s32 s14, $0x4000;
	_ =	swait.ge [sflag:s28], $0x80  }
.Ltmp3:
0x5a: {  	[sflag:s28] =	ssyncset.done $0x0;
	(pc) =	sbr.rel @!p3 .LBB2_13-.Ltmp3, $4  }
0x5b: {  	s30 =	simm.s32 $0x17C80;
	p2 =	por $0x0, $0x0;
	[sflag:s28] =	ssyncadd.s32 $0xFFFFFF80  }
0x5c: {  	[tilespmem:s30], [sflag:$0x2] =	stream.linear.gather [hbm4b:s6+s11], $0x4000, $0x38;
	[tilespmem:$0x1BC80] =	vst v63  }
0x5d: {  	s7 =	simm.s32 $0x1;
	s10 =	simm.s32 $0x4000;
	s24 =	simm.s32 $0x80  }
0x5e: {  	[tilespmem:s30], [sflag:$0x2] =	stream.linear.gather [hbm4b:s6+s11], $0x4000, $0x38;
	[tilespmem:$0x1BC80] =	vst v63  }
0x5f: {  	p2 =	sgt.s32 s18, $0x1;
	s12 =	smov.u32 s18  }
0x60: {  	_ =	swait.ge [sflag:s31], $0x4000;
	s12 =	smov.u32 @p2 s7  }
0x61: {  	s25 =	sand.u32 $0x180, s24;
	s23 =	simm.s32 $0x0;
	s7 =	sadd.s32 s13, s12  }
0x62: {  	s24 =	sand.u32 $0x4000, s11;
	[sflag:s31] =	ssyncset.done $0x0;
	s7 =	sshll.u32 s7, $0x4  }
0x63: {  	s15 =	sadd.s32 $0x13880, s25;
	[sflag:s31] =	ssyncadd.s32 $0xFFFFC000;
	s30 =	sadd.s32 s3, s7  }
0x64: {  	[tilespmem:s15], [sflag:$0x3] =	stream.linear.gather [hbm4b:s30+s9], $0x80, $0x38;
	[tilespmem:$0x1BC80] =	vst v63  }
0x65: {  	s12 =	sadd.s32 $0x13A80, s25;
	s25 =	sand.u32 $0x180, s23;
	s7 =	sadd.s32 s5, s7  }
0x66: {  	[tilespmem:s12], [sflag:$0x3] =	stream.linear.gather [hbm4b:s7+s9], $0x80, $0x38;
	[tilespmem:$0x1BC80] =	vst v63  }
0x67: {  	p3 =	sne.s32 s14, $0x8000;
	s30 =	sadd.s32 $0x13880, s25;
	s7 =	sor.u32 $0x13C80, s24  }
0x68: {  	[tilespmem:s7], [sflag:$0x1] =	stream.indirect.gather [hbm4b:s6+s4], $0x80, s30, s4, $0xb8;
	[tilespmem:$0x1BC80] =	vst v63  }
.Ltmp4:
0x69: {  	_ =	swait.ge [sflag:s16], $0x4000;
	(pc) =	sbr.rel @!p3 .LBB2_10-.Ltmp4, $4  }
0x6a: {  	p2 =	por $0x1, $0x1;
	[sflag:s16] =	ssyncset.done $0x0  }
0x6b: {  	s11 =	sadd.s32 $0x13A80, s25;
	s24 =	simm.s32 $0x100;
	[sflag:s16] =	ssyncadd.s32 $0xFFFFC000  }
0x6c: {  	[spmem:s8] =	stream.indirect.scatter.add.f32 [tilespmem:s7], [sflag:$0x2], $0x80, s11, s4, $0xb8;
	[tilespmem:$0x1BC80] =	vst v63  }
0x6d: {  	s11 =	simm.s32 $0x8000;
	s7 =	simm.s32 $0x2;
	_ =	swait.ge [sflag:s26], $0x100  }
.LBB2_11:
0x6e: {  	p4 =	slt.s32 s7, s18;
	[sflag:s26] =	ssyncset.done $0x0  }
0x6f: {  	s12 =	smov.u32 s11;
	s11 =	sadd.s32 $0x4000, s11;
	s15 =	smov.u32 s18  }
0x70: {  	p3 =	sne.s32 s14, s11;
	s15 =	smov.u32 @p4 s7;
	[sflag:s26] =	ssyncadd.s32 $0xFFFFFF00  }
0x71: {  	s10 =	sand.u32 $0x4000, s10;
	_ =	swait.ge [sflag:s31], $0x4000;
	s15 =	sadd.s32 s13, s15  }
0x72: {  	s25 =	sand.u32 $0x180, s24;
	[sflag:s31] =	ssyncset.done $0x0;
	s15 =	sshll.u32 s15, $0x4  }
0x73: {  	s30 =	sadd.s32 $0x13880, s25;
	[sflag:s31] =	ssyncadd.s32 $0xFFFFC000;
	s23 =	sadd.s32 s3, s15  }
0x74: {  	[tilespmem:s30], [sflag:$0x3] =	stream.linear.gather [hbm4b:s23+s9], $0x80, $0x38;
	[tilespmem:$0x1BC80] =	vst v63  }
0x75: {  	s15 =	sadd.s32 s5, s15;
	s23 =	sadd.s32 $0x13A80, s25;
	s25 =	sadd.s32 $0xFFFFFF80, s24  }
0x76: {  	[tilespmem:s23], [sflag:$0x3] =	stream.linear.gather [hbm4b:s15+s9], $0x80, $0x38;
	[tilespmem:$0x1BC80] =	vst v63  }
0x77: {  	s15 =	sor.u32 $0x13C80, s10;
	s23 =	sand.u32 $0x180, s25;
	s10 =	smov.u32 s12  }
0x78: {  	s12 =	sadd.s32 $0x13880, s23  }
0x79: {  	[tilespmem:s15], [sflag:$0x1] =	stream.indirect.gather [hbm4b:s6+s4], $0x80, s12, s4, $0xb8;
	[tilespmem:$0x1BC80] =	vst v63  }
.Ltmp5:
0x7a: {  	_ =	swait.ge [sflag:s16], $0x4000;
	(pc) =	sbr.rel @p3 .LBB2_11-.Ltmp5, $4  }
0x7b: {  	s12 =	sadd.s32 $0x13A80, s23;
	[sflag:s16] =	ssyncset.done $0x0  }
0x7c: {  	[sflag:s16] =	ssyncadd.s32 $0xFFFFC000  }
0x7d: {  	[spmem:s8] =	stream.indirect.scatter.add.f32 [tilespmem:s15], [sflag:$0x2], $0x80, s12, s4, $0xb8;
	[tilespmem:$0x1BC80] =	vst v63  }
0x7e: {  	s7 =	sadd.s32 $0x1, s7;
	s24 =	sadd.s32 $0x80, s24;
	_ =	swait.ge [sflag:s26], $0x100  }
.Ltmp6:
0x7f: {  	(pc) =	sbr.rel .LBB2_13-.Ltmp6, $2  }
0x80: {  	_ =	sdelay $0x2  }
0x81: {  	s11 =	smov.u32 s10;
	s23 =	simm.s32 @p1 $0x1FC4  }
.LBB2_2:
0x82: {  	s23 =	simm.s32 @p1 $0x1FC4;
	s7 =	rddreg [dreg:$0xe];
	s21 =	simm.s32 @p1 $0x4  }
0x83: {  	[spmem:s20], [sflag:s23] =	dma.local @p1 [hbm:s7], $0x2080  }
0x84: {  	_ =	swait.ge @p1 [sflag:s21], $0x2080  }
0x85: {  	[sflag:s21] =	ssyncset.done @p1 $0x0  }
0x86: {  	s22 =	simm.s32 @!p1 $0x4;
	s7 =	rddreg [dreg:$0xc];
	[sflag:s21] =	ssyncadd.s32 @p1 $0xFFFFDF80  }
0x87: {  	[spmem:s29], [sflag:s19] =	dma.local @!p1 [hbm:s7], $0x2780  }
0x88: {  	_ =	swait.ge @!p1 [sflag:s22], $0x2780  }
0x89: {  	[sflag:s22] =	ssyncset.done @!p1 $0x0  }
0x8a: {  	[sflag:s22] =	ssyncadd.s32 @!p1 $0xFFFFD880  }
0x8b: {  	[bflag:$0x0] =	sbarrier.arrive $0xFFFF  }
0x8c: {  	s11 =	simm.s32 $0x0;
	s10 =	simm.s32 $0x13880;
	s15 =	rddreg [dreg:$0xf]  }
0x8d: {  	[tilespmem:s10], [sflag:$0x4] =	stream.linear.gather [hbm4b:s15+s11], $0x80, $0x38;
	[tilespmem:$0x1BC80] =	vst v63  }
0x8e: {  	_ =	swait.ge [sflag:s28], $0x80  }
0x8f: {  	[sflag:s28] =	ssyncset.done $0x0  }
0x90: {  	s25 =	simm.s32 $0x13A80;
	s24 =	rddreg [dreg:$0x10];
	[sflag:s28] =	ssyncadd.s32 $0xFFFFFF80  }
0x91: {  	[tilespmem:s25], [sflag:$0x4] =	stream.linear.gather [hbm4b:s24+s11], $0x80, $0x38;
	[tilespmem:$0x1BC80] =	vst v63  }
0x92: {  	p3 =	sne.s32 s14, $0x4000;
	_ =	swait.ge [sflag:s28], $0x80  }
.Ltmp7:
0x93: {  	[sflag:s28] =	ssyncset.done $0x0;
	(pc) =	sbr.rel @!p3 .LBB2_7-.Ltmp7, $4  }
0x94: {  	s30 =	simm.s32 $0x17C80;
	p2 =	por $0x0, $0x0;
	[sflag:s28] =	ssyncadd.s32 $0xFFFFFF80  }
0x95: {  	[tilespmem:s30], [sflag:$0x2] =	stream.linear.gather [hbm4b:s2+s11], $0x4000, $0x38;
	[tilespmem:$0x1BC80] =	vst v63  }
0x96: {  	s7 =	simm.s32 $0x1;
	s10 =	simm.s32 $0x4000;
	s24 =	simm.s32 $0x80  }
0x97: {  	[tilespmem:s30], [sflag:$0x2] =	stream.linear.gather [hbm4b:s2+s11], $0x4000, $0x38;
	[tilespmem:$0x1BC80] =	vst v63  }
0x98: {  	p2 =	sgt.s32 s18, $0x1;
	s12 =	smov.u32 s18  }
0x99: {  	_ =	swait.ge [sflag:s31], $0x4000;
	s12 =	smov.u32 @p2 s7  }
0x9a: {  	s30 =	sand.u32 $0x180, s24;
	s23 =	simm.s32 $0x0;
	s7 =	sadd.s32 s13, s12  }
0x9b: {  	[sflag:s31] =	ssyncset.done $0x0;
	s24 =	sadd.s32 $0x13880, s30;
	s7 =	sshll.u32 s7, $0x4  }
0x9c: {  	s25 =	sand.u32 $0x180, s23;
	[sflag:s31] =	ssyncadd.s32 $0xFFFFC000;
	s15 =	sadd.s32 s0, s7  }
0x9d: {  	[tilespmem:s24], [sflag:$0x3] =	stream.linear.gather [hbm4b:s15+s9], $0x80, $0x38;
	[tilespmem:$0x1BC80] =	vst v63  }
0x9e: {  	s12 =	sadd.s32 $0x13A80, s30;
	s7 =	sadd.s32 s1, s7;
	s24 =	sand.u32 $0x4000, s11  }
0x9f: {  	[tilespmem:s12], [sflag:$0x3] =	stream.linear.gather [hbm4b:s7+s9], $0x80, $0x38;
	[tilespmem:$0x1BC80] =	vst v63  }
0xa0: {  	p3 =	sne.s32 s14, $0x8000;
	s30 =	sadd.s32 $0x13880, s25;
	s7 =	sor.u32 $0x13C80, s24  }
0xa1: {  	[tilespmem:s7], [sflag:$0x1] =	stream.indirect.gather [hbm4b:s2+s4], $0x80, s30, s4, $0xb8;
	[tilespmem:$0x1BC80] =	vst v63  }
.Ltmp8:
0xa2: {  	_ =	swait.ge [sflag:s16], $0x4000;
	(pc) =	sbr.rel @!p3 .LBB2_4-.Ltmp8, $4  }
0xa3: {  	p2 =	por $0x1, $0x1;
	[sflag:s16] =	ssyncset.done $0x0  }
0xa4: {  	s11 =	sadd.s32 $0x13A80, s25;
	s24 =	simm.s32 $0x100;
	[sflag:s16] =	ssyncadd.s32 $0xFFFFC000  }
0xa5: {  	[spmem:s8] =	stream.indirect.scatter.add.f32 [tilespmem:s7], [sflag:$0x2], $0x80, s11, s4, $0xb8;
	[tilespmem:$0x1BC80] =	vst v63  }
0xa6: {  	s11 =	simm.s32 $0x8000;
	s7 =	simm.s32 $0x2;
	_ =	swait.ge [sflag:s26], $0x100  }
.LBB2_5:
0xa7: {  	p4 =	slt.s32 s7, s18;
	[sflag:s26] =	ssyncset.done $0x0  }
0xa8: {  	s12 =	smov.u32 s11;
	s11 =	sadd.s32 $0x4000, s11;
	s15 =	smov.u32 s18  }
0xa9: {  	p3 =	sne.s32 s14, s11;
	s15 =	smov.u32 @p4 s7;
	[sflag:s26] =	ssyncadd.s32 $0xFFFFFF00  }
0xaa: {  	s10 =	sand.u32 $0x4000, s10;
	_ =	swait.ge [sflag:s31], $0x4000;
	s15 =	sadd.s32 s13, s15  }
0xab: {  	s30 =	sand.u32 $0x180, s24;
	[sflag:s31] =	ssyncset.done $0x0;
	s15 =	sshll.u32 s15, $0x4  }
0xac: {  	s25 =	sadd.s32 $0x13880, s30;
	[sflag:s31] =	ssyncadd.s32 $0xFFFFC000;
	s23 =	sadd.s32 s0, s15  }
0xad: {  	[tilespmem:s25], [sflag:$0x3] =	stream.linear.gather [hbm4b:s23+s9], $0x80, $0x38;
	[tilespmem:$0x1BC80] =	vst v63  }
0xae: {  	s15 =	sadd.s32 s1, s15;
	s23 =	sadd.s32 $0x13A80, s30;
	s25 =	sadd.s32 $0xFFFFFF80, s24  }
0xaf: {  	[tilespmem:s23], [sflag:$0x3] =	stream.linear.gather [hbm4b:s15+s9], $0x80, $0x38;
	[tilespmem:$0x1BC80] =	vst v63  }
0xb0: {  	s15 =	sor.u32 $0x13C80, s10;
	s23 =	sand.u32 $0x180, s25;
	s10 =	smov.u32 s12  }
0xb1: {  	s12 =	sadd.s32 $0x13880, s23  }
0xb2: {  	[tilespmem:s15], [sflag:$0x1] =	stream.indirect.gather [hbm4b:s2+s4], $0x80, s12, s4, $0xb8;
	[tilespmem:$0x1BC80] =	vst v63  }
.Ltmp9:
0xb3: {  	_ =	swait.ge [sflag:s16], $0x4000;
	(pc) =	sbr.rel @p3 .LBB2_5-.Ltmp9, $4  }
0xb4: {  	s12 =	sadd.s32 $0x13A80, s23;
	[sflag:s16] =	ssyncset.done $0x0  }
0xb5: {  	[sflag:s16] =	ssyncadd.s32 $0xFFFFC000  }
0xb6: {  	[spmem:s8] =	stream.indirect.scatter.add.f32 [tilespmem:s15], [sflag:$0x2], $0x80, s12, s4, $0xb8;
	[tilespmem:$0x1BC80] =	vst v63  }
0xb7: {  	s7 =	sadd.s32 $0x1, s7;
	s24 =	sadd.s32 $0x80, s24;
	_ =	swait.ge [sflag:s26], $0x100  }
0xb8: {  	s11 =	smov.u32 s10;
	s23 =	simm.s32 @p1 $0x1FC4  }
.LBB2_7:
0xb9: {  	p3 =	slt.s32 s7, s18;
	[sflag:s26] =	ssyncset.done @p2 $0x0;
	s10 =	smov.u32 s18  }
0xba: {  	s10 =	smov.u32 @p3 s7;
	[sflag:s26] =	ssyncadd.s32 @p2 $0xFFFFFF00  }
0xbb: {  	_ =	swait.ge [sflag:s31], $0x4000;
	s7 =	sadd.s32 s13, s10  }
0xbc: {  	s30 =	sand.u32 $0x180, s24;
	[sflag:s31] =	ssyncset.done $0x0;
	s7 =	sshll.u32 s7, $0x4  }
0xbd: {  	s12 =	sadd.s32 $0x13880, s30;
	[sflag:s31] =	ssyncadd.s32 $0xFFFFC000;
	s15 =	sadd.s32 s0, s7  }
0xbe: {  	[tilespmem:s12], [sflag:$0x3] =	stream.linear.gather [hbm4b:s15+s9], $0x80, $0x38;
	[tilespmem:$0x1BC80] =	vst v63  }
0xbf: {  	s10 =	sadd.s32 $0x13A80, s30;
	s15 =	sadd.s32 $0xFFFFFF80, s24  }
0xc0: {  	s7 =	sadd.s32 s1, s7;
	s24 =	sand.u32 $0x4000, s11;
	s25 =	sand.u32 $0x180, s15  }
0xc1: {  	[tilespmem:s10], [sflag:$0x3] =	stream.linear.gather [hbm4b:s7+s9], $0x80, $0x38;
	[tilespmem:$0x1BC80] =	vst v63  }
0xc2: {  	s7 =	sor.u32 $0x13C80, s24;
	s30 =	sadd.s32 $0x13880, s25  }
0xc3: {  	[tilespmem:s7], [sflag:$0x1] =	stream.indirect.gather [hbm4b:s2+s4], $0x80, s30, s4, $0xb8;
	[tilespmem:$0x1BC80] =	vst v63  }
0xc4: {  	_ =	swait.ge [sflag:s16], $0x4000  }
0xc5: {  	[sflag:s16] =	ssyncset.done $0x0  }
0xc6: {  	s10 =	sadd.s32 $0x13A80, s25;
	[sflag:s16] =	ssyncadd.s32 $0xFFFFC000  }
0xc7: {  	[spmem:s8] =	stream.indirect.scatter.add.f32 [tilespmem:s7], [sflag:$0x2], $0x80, s10, s4, $0xb8;
	[tilespmem:$0x1BC80] =	vst v63  }
0xc8: {  	_ =	swait.ge [sflag:s26], $0x100  }
0xc9: {  	[sflag:s26] =	ssyncset.done $0x0  }
0xca: {  	[sflag:s26] =	ssyncadd.s32 $0xFFFFFF00  }
0xcb: {  	_ =	swait.ge [sflag:s31], $0x4000  }
0xcc: {  	[sflag:s31] =	ssyncset.done $0x0  }
0xcd: {  	[sflag:s31] =	ssyncadd.s32 $0xFFFFC000  }
0xce: {  	_ =	swait.ge [sflag:s31], $0x4000  }
0xcf: {  	[sflag:s31] =	ssyncset.done $0x0  }
0xd0: {  	[sflag:s31] =	ssyncadd.s32 $0xFFFFC000  }
0xd1: {  	[bflag:$0x0] =	sbarrier.arrive $0xFFFF  }
0xd2: {  	s7 =	rddreg [dreg:$0x12]  }
0xd3: {  	[hbm:s7], [sflag:s23] =	dma.local @p1 [spmem:s20], $0x2080  }
0xd4: {  	_ =	swait.ge @p1 [sflag:s21], $0x2080  }
0xd5: {  	[sflag:s21] =	ssyncset.done @p1 $0x0  }
.Ltmp10:
0xd6: {  	s7 =	rddreg [dreg:$0x11];
	[sflag:s21] =	ssyncadd.s32 @p1 $0xFFFFDF80;
	(pc) =	sbr.rel .LBB2_14-.Ltmp10, $4  }
0xd7: {  	[hbm:s7], [sflag:s19] =	dma.local @!p1 [spmem:s29], $0x2780  }
0xd8: {  	_ =	swait.ge @!p1 [sflag:s22], $0x2780  }
0xd9: {  	[sflag:s22] =	ssyncset.done @!p1 $0x0  }
0xda: {  	[sflag:s22] =	ssyncadd.s32 @!p1 $0xFFFFD880  }
.LBB2_4:
.Ltmp11:
0xdb: {  	(pc) =	sbr.rel .LBB2_7-.Ltmp11, $2  }
0xdc: {  	_ =	sdelay $0x2  }
0xdd: {  	s11 =	simm.s32 $0x4000;
	s23 =	simm.s32 @p1 $0x1FC4  }
.LBB2_15:
0xde: {  	_ =	sfence.sel $0x180000  }
0xdf: {  	[bflag:$0x0] =	sbarrier.arrive $0xFFFF  }
0xe0: {  	_ =	strace $0x90000047  }
0xe1: {  	s0 =	stileid.u32;
	[bflag:$0x2] =	sbarrier.arrive $0xFFFF  }
0xe2: {  	p0 =	sne.s32 s0, $0x0;
	s0 =	rddreg [dreg:$0xa]  }
0xe3: {  	s0 =	sadd.s32 @!p0 $0x100000, s0  }
0xe4: {  	[sflag:s0] =	ssyncadd.tile.s32 @!p0 $0x1;
	_ =	shalt  }
.Lfunc_end2:
_tile_overlayer_lowered:
.L_overlay_start_2:
0xe5: {  	(tag) =	ssettag $0x2  }
0xe6: {  	s0 =	rddreg [dreg:$0x0];
	s2 =	stileid.u32  }
0xe7: {  	s1 =	rddreg [dreg:$0x1];
	p0 =	sne.s32 s2, $0x0  }
0xe8: {  	s3 =	rddreg [dreg:$0x2];
	[bflag:$0x3] =	sbarrier.arrive $0xFFFF;
	s2 =	simm.s32 @!p0 $0x1C04  }
0xe9: {  	[timem:s3], [sflag:s2] =	dma.local @!p0 [hbm:s0], s1  }
0xea: {  	s0 =	simm.s32 @!p0 $0x4  }
0xeb: {  	_ =	swait.ge @!p0 [sflag:s0], s1  }
0xec: {  	s1 =	ssub.s32 @!p0 $0x0, s1;
	[sflag:s0] =	ssyncset.done @!p0 $0x0  }
0xed: {  	[sflag:s0] =	ssyncadd.s32 @!p0 s1  }
0xee: {  	[bflag:$0x3] =	sbarrier.arrive $0xFFFF  }
0xef: {  	_ =	shalt  }

</sc_bundles>
